<compile_context>
chip_gen: v7x
topology: tpu7x:2x2x1
jax: 0.10.2.dev20260603
libtpu: 0.0.44.dev20260713+nightly
codegen_flags: <defaults>
</compile_context>

<pallas_src>
import functools

import jax
import jax.numpy as jnp
from jax import lax
from jax.experimental import pallas as pl
from jax.experimental.pallas import tpu as pltpu
from jax.experimental.pallas import tpu_sc as plsc

EMBED_DIM = 64
NUM_CORES = 2
NUM_SUBCORES = 16
NUM_WORKERS = NUM_CORES * NUM_SUBCORES

RING = 8


def _worker_id():
    return lax.axis_index("s") * NUM_CORES + lax.axis_index("c")


def _make_gather(batch: int, seq: int, vocab: int):
    rows_per_w = batch // NUM_WORKERS
    num_blocks = rows_per_w // RING

    mesh = plsc.VectorSubcoreMesh(core_axis_name="c", subcore_axis_name="s")

    @functools.partial(
        pl.kernel,
        mesh=mesh,
        out_type=jax.ShapeDtypeStruct((batch, seq, 2 * EMBED_DIM), jnp.float32),
        compiler_params=pltpu.CompilerParams(use_tc_tiling_on_sc=False),
        scratch_types=(
            [pltpu.VMEM((rows_per_w, seq), jnp.int32)]
            + [pltpu.VMEM((seq, EMBED_DIM), jnp.float32) for _ in range(RING)]
            + [pltpu.SemaphoreType.DMA for _ in range(2 * RING)]
        ),
    )
    def gather_kernel(idx_hbm, table_hbm, out_hbm, idx_v, *rest):
        rows = rest[:RING]
        gsem = rest[RING:2 * RING]
        ssem = rest[2 * RING:]

        wid = _worker_id()
        base = wid * rows_per_w

        pltpu.sync_copy(idx_hbm.at[pl.ds(base, rows_per_w)], idx_v)

        def g_copy(i, r):
            return pltpu.make_async_copy(
                table_hbm.at[idx_v.at[i]], rows[r], gsem[r])

        def s_copy(i, r):
            return pltpu.make_async_copy(
                rows[r], out_hbm.at[base + i, :, pl.ds(0, EMBED_DIM)], ssem[r])

        for r in range(RING):
            g_copy(r, r).start()

        def body(blk, _):
            for r in range(RING):
                i = blk * RING + r
                g_copy(i, r).wait()
                s_copy(i, r).start()
            for r in range(RING):
                i = blk * RING + r
                s_copy(i, r).wait()
                g_copy(i + RING, r).start()
            return 0

        lax.fori_loop(0, num_blocks - 1, body, 0)

        last = (num_blocks - 1) * RING
        for r in range(RING):
            g_copy(last + r, r).wait()
            s_copy(last + r, r).start()
        for r in range(RING):
            s_copy(last + r, r).wait()

    return gather_kernel


def kernel(idx_texts, embed_table):
    batch, seq = idx_texts.shape
    vocab, dim = embed_table.shape
    padded = _make_gather(batch, seq, vocab)(idx_texts, embed_table)
    return padded[:, :, :EMBED_DIM]

# --- scband reference (transcript-rebuilt; emitter-appended) ---
"""Pipeline reference for scband-word-embedding-10969346474384 (READ-ONLY COPY).

The authoritative reference and input builder live on the scoring server;
editing this copy changes nothing except your own understanding.
"""

import jax, jax.numpy as jnp
import numpy as np

VOCAB = 1000000
EMBED_DIM = 64
BATCH = 4096
SEQ_LEN = 200


def setup_inputs(seed: int = 0) -> dict:
    key = jax.random.key(seed)
    k_idx, k_tab = jax.random.split(key)
    idx_texts = jax.random.randint(k_idx, (BATCH, SEQ_LEN), 0, VOCAB, dtype=jnp.int64 if jax.config.jax_enable_x64 else jnp.int32).astype(jnp.int32)
    embed_table = jax.random.normal(k_tab, (VOCAB, EMBED_DIM), dtype=jnp.float32) * 0.02
    return {"idx_texts": idx_texts, "embed_table": embed_table}


def reference(idx_texts, embed_table):
    # Faithful translation of nn.Embedding forward: row gather from the table.
    return jnp.take(embed_table, idx_texts, axis=0)

if __name__ == "__main__":
    import jax
    _d = setup_inputs()
    print(jax.jit(kernel)(*tuple(_d.values())))

</pallas_src>

<mosaic_0001>
#map = affine_map<(d0, d1) -> (0, 0)>
#map1 = affine_map<(d0, d1) -> (0, 0, 0)>
module attributes {stable_mosaic.version = 14 : i64} {
  func.func @gather_kernel(%arg0: i32, %arg1: i32, %arg2: memref<4096x200xi32, #tpu.memory_space<hbm>>, %arg3: memref<1000000x64xf32, #tpu.memory_space<hbm>>, %arg4: memref<4096x200x128xf32, #tpu.memory_space<hbm>>, %arg5: memref<128x200xi32, #tpu.memory_space<vmem>>, %arg6: memref<200x64xf32, #tpu.memory_space<vmem>>, %arg7: memref<200x64xf32, #tpu.memory_space<vmem>>, %arg8: memref<200x64xf32, #tpu.memory_space<vmem>>, %arg9: memref<200x64xf32, #tpu.memory_space<vmem>>, %arg10: memref<200x64xf32, #tpu.memory_space<vmem>>, %arg11: memref<200x64xf32, #tpu.memory_space<vmem>>, %arg12: memref<200x64xf32, #tpu.memory_space<vmem>>, %arg13: memref<200x64xf32, #tpu.memory_space<vmem>>, %arg14: memref<!tpu.dma_semaphore, #tpu.memory_space<semaphore_mem>>, %arg15: memref<!tpu.dma_semaphore, #tpu.memory_space<semaphore_mem>>, %arg16: memref<!tpu.dma_semaphore, #tpu.memory_space<semaphore_mem>>, %arg17: memref<!tpu.dma_semaphore, #tpu.memory_space<semaphore_mem>>, %arg18: memref<!tpu.dma_semaphore, #tpu.memory_space<semaphore_mem>>, %arg19: memref<!tpu.dma_semaphore, #tpu.memory_space<semaphore_mem>>, %arg20: memref<!tpu.dma_semaphore, #tpu.memory_space<semaphore_mem>>, %arg21: memref<!tpu.dma_semaphore, #tpu.memory_space<semaphore_mem>>, %arg22: memref<!tpu.dma_semaphore, #tpu.memory_space<semaphore_mem>>, %arg23: memref<!tpu.dma_semaphore, #tpu.memory_space<semaphore_mem>>, %arg24: memref<!tpu.dma_semaphore, #tpu.memory_space<semaphore_mem>>, %arg25: memref<!tpu.dma_semaphore, #tpu.memory_space<semaphore_mem>>, %arg26: memref<!tpu.dma_semaphore, #tpu.memory_space<semaphore_mem>>, %arg27: memref<!tpu.dma_semaphore, #tpu.memory_space<semaphore_mem>>, %arg28: memref<!tpu.dma_semaphore, #tpu.memory_space<semaphore_mem>>, %arg29: memref<!tpu.dma_semaphore, #tpu.memory_space<semaphore_mem>>) attributes {dimension_semantics = [#tpu.dimension_semantics<core_parallel>, #tpu.dimension_semantics<subcore_parallel>], iteration_bounds = array<i64: 2, 16>, scalar_prefetch = 0 : i64, scratch_operands = 25 : i64, tpu.core_type = #tpu.core_type<sc_vector_subcore>, window_params = [{transform_indices = #map}, {transform_indices = #map}, {transform_indices = #map1}]} {
    %mul3A = arith.constant 2 : i32
    %mul3A_0 = arith.muli %arg1, %mul3A : i32
    %add3A = arith.addi %mul3A_0, %arg0 : i32
    %mul3A_1 = arith.constant 128 : i32
    %mul3A_2 = arith.muli %add3A, %mul3A_1 : i32
    "tpu.region"() ({
      %run_scoped3A = tpu.sem_alloc : memref<!tpu.dma_semaphore, #tpu.memory_space<semaphore_mem>>
      %dma_start3A_279 = arith.constant 0 : i32
      %dma_start3A_280 = tpu.memref_slice %arg2[%mul3A_2, %dma_start3A_279] : memref<4096x200xi32, #tpu.memory_space<hbm>> -> memref<128x200xi32, #tpu.memory_space<hbm>>
      %dma_start3A_281 = arith.constant 0 : i32
      %dma_start3A_282 = tpu.memref_slice %arg2[%mul3A_2, %dma_start3A_281] : memref<4096x200xi32, #tpu.memory_space<hbm>> -> memref<128x200xi32, #tpu.memory_space<hbm>>
      tpu.enqueue_dma source(%dma_start3A_282 : memref<128x200xi32, #tpu.memory_space<hbm>>) target(%arg5 : memref<128x200xi32, #tpu.memory_space<vmem>>) target_semaphore(%run_scoped3A : memref<!tpu.dma_semaphore, #tpu.memory_space<semaphore_mem>>)
      %dma_wait3A_283 = arith.constant 0 : i32
      %dma_wait3A_284 = tpu.memref_slice %arg2[%mul3A_2, %dma_wait3A_283] : memref<4096x200xi32, #tpu.memory_space<hbm>> -> memref<128x200xi32, #tpu.memory_space<hbm>>
      %dma_wait3A_285 = arith.constant 0 : i32
      %dma_wait3A_286 = tpu.memref_slice %arg2[%mul3A_2, %dma_wait3A_285] : memref<4096x200xi32, #tpu.memory_space<hbm>> -> memref<128x200xi32, #tpu.memory_space<hbm>>
      tpu.wait_dma2 semaphore(%run_scoped3A : memref<!tpu.dma_semaphore, #tpu.memory_space<semaphore_mem>>) src(%dma_wait3A_286 : memref<128x200xi32, #tpu.memory_space<hbm>>) dst(%arg5 : memref<128x200xi32, #tpu.memory_space<vmem>>)
      tpu.yield
    }) : () -> ()
    %dma_start3A = arith.constant 0 : i32
    %dma_start3A_3 = arith.constant 0 : i32
    %dma_start3A_4 = tpu.memref_slice %arg5[%dma_start3A, %dma_start3A_3] : memref<128x200xi32, #tpu.memory_space<vmem>> -> memref<1x200xi32, #tpu.memory_space<vmem>>
    %dma_start3A_5 = tpu.memref_squeeze %dma_start3A_4 : memref<1x200xi32, #tpu.memory_space<vmem>> -> memref<200xi32, #tpu.memory_space<vmem>>
    %dma_start3A_6 = arith.constant 0 : i32
    %dma_start3A_7 = arith.constant 0 : i32
    %dma_start3A_8 = tpu.memref_slice %arg3[%dma_start3A_6, %dma_start3A_7] : memref<1000000x64xf32, #tpu.memory_space<hbm>> -> memref<1000000x64xf32, #tpu.memory_space<hbm>>
    tpu.enqueue_indirect_dma source(%dma_start3A_8 : memref<1000000x64xf32, #tpu.memory_space<hbm>>) target(%arg6 : memref<200x64xf32, #tpu.memory_space<vmem>>) offsets(%dma_start3A_5 : memref<200xi32, #tpu.memory_space<vmem>>) semaphore(%arg14 : memref<!tpu.dma_semaphore, #tpu.memory_space<semaphore_mem>>)
    %dma_start3A_9 = arith.constant 1 : i32
    %dma_start3A_10 = arith.constant 0 : i32
    %dma_start3A_11 = tpu.memref_slice %arg5[%dma_start3A_9, %dma_start3A_10] : memref<128x200xi32, #tpu.memory_space<vmem>> -> memref<1x200xi32, #tpu.memory_space<vmem>>
    %dma_start3A_12 = tpu.memref_squeeze %dma_start3A_11 : memref<1x200xi32, #tpu.memory_space<vmem>> -> memref<200xi32, #tpu.memory_space<vmem>>
    %dma_start3A_13 = arith.constant 0 : i32
    %dma_start3A_14 = arith.constant 0 : i32
    %dma_start3A_15 = tpu.memref_slice %arg3[%dma_start3A_13, %dma_start3A_14] : memref<1000000x64xf32, #tpu.memory_space<hbm>> -> memref<1000000x64xf32, #tpu.memory_space<hbm>>
    tpu.enqueue_indirect_dma source(%dma_start3A_15 : memref<1000000x64xf32, #tpu.memory_space<hbm>>) target(%arg7 : memref<200x64xf32, #tpu.memory_space<vmem>>) offsets(%dma_start3A_12 : memref<200xi32, #tpu.memory_space<vmem>>) semaphore(%arg15 : memref<!tpu.dma_semaphore, #tpu.memory_space<semaphore_mem>>)
    %dma_start3A_16 = arith.constant 2 : i32
    %dma_start3A_17 = arith.constant 0 : i32
    %dma_start3A_18 = tpu.memref_slice %arg5[%dma_start3A_16, %dma_start3A_17] : memref<128x200xi32, #tpu.memory_space<vmem>> -> memref<1x200xi32, #tpu.memory_space<vmem>>
    %dma_start3A_19 = tpu.memref_squeeze %dma_start3A_18 : memref<1x200xi32, #tpu.memory_space<vmem>> -> memref<200xi32, #tpu.memory_space<vmem>>
    %dma_start3A_20 = arith.constant 0 : i32
    %dma_start3A_21 = arith.constant 0 : i32
    %dma_start3A_22 = tpu.memref_slice %arg3[%dma_start3A_20, %dma_start3A_21] : memref<1000000x64xf32, #tpu.memory_space<hbm>> -> memref<1000000x64xf32, #tpu.memory_space<hbm>>
    tpu.enqueue_indirect_dma source(%dma_start3A_22 : memref<1000000x64xf32, #tpu.memory_space<hbm>>) target(%arg8 : memref<200x64xf32, #tpu.memory_space<vmem>>) offsets(%dma_start3A_19 : memref<200xi32, #tpu.memory_space<vmem>>) semaphore(%arg16 : memref<!tpu.dma_semaphore, #tpu.memory_space<semaphore_mem>>)
    %dma_start3A_23 = arith.constant 3 : i32
    %dma_start3A_24 = arith.constant 0 : i32
    %dma_start3A_25 = tpu.memref_slice %arg5[%dma_start3A_23, %dma_start3A_24] : memref<128x200xi32, #tpu.memory_space<vmem>> -> memref<1x200xi32, #tpu.memory_space<vmem>>
    %dma_start3A_26 = tpu.memref_squeeze %dma_start3A_25 : memref<1x200xi32, #tpu.memory_space<vmem>> -> memref<200xi32, #tpu.memory_space<vmem>>
    %dma_start3A_27 = arith.constant 0 : i32
    %dma_start3A_28 = arith.constant 0 : i32
    %dma_start3A_29 = tpu.memref_slice %arg3[%dma_start3A_27, %dma_start3A_28] : memref<1000000x64xf32, #tpu.memory_space<hbm>> -> memref<1000000x64xf32, #tpu.memory_space<hbm>>
    tpu.enqueue_indirect_dma source(%dma_start3A_29 : memref<1000000x64xf32, #tpu.memory_space<hbm>>) target(%arg9 : memref<200x64xf32, #tpu.memory_space<vmem>>) offsets(%dma_start3A_26 : memref<200xi32, #tpu.memory_space<vmem>>) semaphore(%arg17 : memref<!tpu.dma_semaphore, #tpu.memory_space<semaphore_mem>>)
    %dma_start3A_30 = arith.constant 4 : i32
    %dma_start3A_31 = arith.constant 0 : i32
    %dma_start3A_32 = tpu.memref_slice %arg5[%dma_start3A_30, %dma_start3A_31] : memref<128x200xi32, #tpu.memory_space<vmem>> -> memref<1x200xi32, #tpu.memory_space<vmem>>
    %dma_start3A_33 = tpu.memref_squeeze %dma_start3A_32 : memref<1x200xi32, #tpu.memory_space<vmem>> -> memref<200xi32, #tpu.memory_space<vmem>>
    %dma_start3A_34 = arith.constant 0 : i32
    %dma_start3A_35 = arith.constant 0 : i32
    %dma_start3A_36 = tpu.memref_slice %arg3[%dma_start3A_34, %dma_start3A_35] : memref<1000000x64xf32, #tpu.memory_space<hbm>> -> memref<1000000x64xf32, #tpu.memory_space<hbm>>
    tpu.enqueue_indirect_dma source(%dma_start3A_36 : memref<1000000x64xf32, #tpu.memory_space<hbm>>) target(%arg10 : memref<200x64xf32, #tpu.memory_space<vmem>>) offsets(%dma_start3A_33 : memref<200xi32, #tpu.memory_space<vmem>>) semaphore(%arg18 : memref<!tpu.dma_semaphore, #tpu.memory_space<semaphore_mem>>)
    %dma_start3A_37 = arith.constant 5 : i32
    %dma_start3A_38 = arith.constant 0 : i32
    %dma_start3A_39 = tpu.memref_slice %arg5[%dma_start3A_37, %dma_start3A_38] : memref<128x200xi32, #tpu.memory_space<vmem>> -> memref<1x200xi32, #tpu.memory_space<vmem>>
    %dma_start3A_40 = tpu.memref_squeeze %dma_start3A_39 : memref<1x200xi32, #tpu.memory_space<vmem>> -> memref<200xi32, #tpu.memory_space<vmem>>
    %dma_start3A_41 = arith.constant 0 : i32
    %dma_start3A_42 = arith.constant 0 : i32
    %dma_start3A_43 = tpu.memref_slice %arg3[%dma_start3A_41, %dma_start3A_42] : memref<1000000x64xf32, #tpu.memory_space<hbm>> -> memref<1000000x64xf32, #tpu.memory_space<hbm>>
    tpu.enqueue_indirect_dma source(%dma_start3A_43 : memref<1000000x64xf32, #tpu.memory_space<hbm>>) target(%arg11 : memref<200x64xf32, #tpu.memory_space<vmem>>) offsets(%dma_start3A_40 : memref<200xi32, #tpu.memory_space<vmem>>) semaphore(%arg19 : memref<!tpu.dma_semaphore, #tpu.memory_space<semaphore_mem>>)
    %dma_start3A_44 = arith.constant 6 : i32
    %dma_start3A_45 = arith.constant 0 : i32
    %dma_start3A_46 = tpu.memref_slice %arg5[%dma_start3A_44, %dma_start3A_45] : memref<128x200xi32, #tpu.memory_space<vmem>> -> memref<1x200xi32, #tpu.memory_space<vmem>>
    %dma_start3A_47 = tpu.memref_squeeze %dma_start3A_46 : memref<1x200xi32, #tpu.memory_space<vmem>> -> memref<200xi32, #tpu.memory_space<vmem>>
    %dma_start3A_48 = arith.constant 0 : i32
    %dma_start3A_49 = arith.constant 0 : i32
    %dma_start3A_50 = tpu.memref_slice %arg3[%dma_start3A_48, %dma_start3A_49] : memref<1000000x64xf32, #tpu.memory_space<hbm>> -> memref<1000000x64xf32, #tpu.memory_space<hbm>>
    tpu.enqueue_indirect_dma source(%dma_start3A_50 : memref<1000000x64xf32, #tpu.memory_space<hbm>>) target(%arg12 : memref<200x64xf32, #tpu.memory_space<vmem>>) offsets(%dma_start3A_47 : memref<200xi32, #tpu.memory_space<vmem>>) semaphore(%arg20 : memref<!tpu.dma_semaphore, #tpu.memory_space<semaphore_mem>>)
    %dma_start3A_51 = arith.constant 7 : i32
    %dma_start3A_52 = arith.constant 0 : i32
    %dma_start3A_53 = tpu.memref_slice %arg5[%dma_start3A_51, %dma_start3A_52] : memref<128x200xi32, #tpu.memory_space<vmem>> -> memref<1x200xi32, #tpu.memory_space<vmem>>
    %dma_start3A_54 = tpu.memref_squeeze %dma_start3A_53 : memref<1x200xi32, #tpu.memory_space<vmem>> -> memref<200xi32, #tpu.memory_space<vmem>>
    %dma_start3A_55 = arith.constant 0 : i32
    %dma_start3A_56 = arith.constant 0 : i32
    %dma_start3A_57 = tpu.memref_slice %arg3[%dma_start3A_55, %dma_start3A_56] : memref<1000000x64xf32, #tpu.memory_space<hbm>> -> memref<1000000x64xf32, #tpu.memory_space<hbm>>
    tpu.enqueue_indirect_dma source(%dma_start3A_57 : memref<1000000x64xf32, #tpu.memory_space<hbm>>) target(%arg13 : memref<200x64xf32, #tpu.memory_space<vmem>>) offsets(%dma_start3A_54 : memref<200xi32, #tpu.memory_space<vmem>>) semaphore(%arg21 : memref<!tpu.dma_semaphore, #tpu.memory_space<semaphore_mem>>)
    %scan3A = arith.constant 0 : i32
    %scan3A_58 = arith.constant 0 : i32
    %scan3A_59 = arith.constant 15 : i32
    %scan3A_60 = arith.addi %scan3A_58, %scan3A_59 : i32
    %scan3A_61 = arith.constant 1 : i32
    %scan3A_62 = scf.for %scan3A_279 = %scan3A_58 to %scan3A_60 step %scan3A_61 iter_args(%scan3A_280 = %scan3A) -> (i32)  : i32 {
      %mul3A_281 = arith.constant 8 : i32
      %mul3A_282 = arith.muli %scan3A_279, %mul3A_281 : i32
      %add3A_283 = arith.constant 0 : i32
      %add3A_284 = arith.addi %mul3A_282, %add3A_283 : i32
      %dma_wait3A_285 = arith.constant 0 : i32
      %dma_wait3A_286 = tpu.memref_slice %arg5[%add3A_284, %dma_wait3A_285] : memref<128x200xi32, #tpu.memory_space<vmem>> -> memref<1x200xi32, #tpu.memory_space<vmem>>
      %dma_wait3A_287 = tpu.memref_squeeze %dma_wait3A_286 : memref<1x200xi32, #tpu.memory_space<vmem>> -> memref<200xi32, #tpu.memory_space<vmem>>
      %dma_wait3A_288 = arith.constant 0 : i32
      %dma_wait3A_289 = arith.constant 0 : i32
      %dma_wait3A_290 = tpu.memref_slice %arg3[%dma_wait3A_288, %dma_wait3A_289] : memref<1000000x64xf32, #tpu.memory_space<hbm>> -> memref<1000000x64xf32, #tpu.memory_space<hbm>>
      tpu.wait_indirect_dma semaphore(%arg14 : memref<!tpu.dma_semaphore, #tpu.memory_space<semaphore_mem>>) src(%dma_wait3A_290 : memref<1000000x64xf32, #tpu.memory_space<hbm>>) dst(%arg6 : memref<200x64xf32, #tpu.memory_space<vmem>>)
      %add3A_291 = arith.addi %mul3A_2, %add3A_284 : i32
      %dma_start3A_292 = arith.constant 0 : i32
      %dma_start3A_293 = arith.constant 0 : i32
      %dma_start3A_294 = tpu.memref_slice %arg4[%add3A_291, %dma_start3A_292, %dma_start3A_293] : memref<4096x200x128xf32, #tpu.memory_space<hbm>> -> memref<1x200x64xf32, #tpu.memory_space<hbm>>
      %dma_start3A_295 = tpu.memref_squeeze %dma_start3A_294 : memref<1x200x64xf32, #tpu.memory_space<hbm>> -> memref<200x64xf32, #tpu.memory_space<hbm>>
      %dma_start3A_296 = arith.constant 0 : i32
      %dma_start3A_297 = arith.constant 0 : i32
      %dma_start3A_298 = tpu.memref_slice %arg4[%add3A_291, %dma_start3A_296, %dma_start3A_297] : memref<4096x200x128xf32, #tpu.memory_space<hbm>> -> memref<1x200x64xf32, #tpu.memory_space<hbm>>
      %dma_start3A_299 = tpu.memref_squeeze %dma_start3A_298 : memref<1x200x64xf32, #tpu.memory_space<hbm>> -> memref<200x64xf32, #tpu.memory_space<hbm>>
      tpu.enqueue_dma source(%arg6 : memref<200x64xf32, #tpu.memory_space<vmem>>) target(%dma_start3A_299 : memref<200x64xf32, #tpu.memory_space<hbm>>) target_semaphore(%arg22 : memref<!tpu.dma_semaphore, #tpu.memory_space<semaphore_mem>>)
      %mul3A_300 = arith.constant 8 : i32
      %mul3A_301 = arith.muli %scan3A_279, %mul3A_300 : i32
      %add3A_302 = arith.constant 1 : i32
      %add3A_303 = arith.addi %mul3A_301, %add3A_302 : i32
      %dma_wait3A_304 = arith.constant 0 : i32
      %dma_wait3A_305 = tpu.memref_slice %arg5[%add3A_303, %dma_wait3A_304] : memref<128x200xi32, #tpu.memory_space<vmem>> -> memref<1x200xi32, #tpu.memory_space<vmem>>
      %dma_wait3A_306 = tpu.memref_squeeze %dma_wait3A_305 : memref<1x200xi32, #tpu.memory_space<vmem>> -> memref<200xi32, #tpu.memory_space<vmem>>
      %dma_wait3A_307 = arith.constant 0 : i32
      %dma_wait3A_308 = arith.constant 0 : i32
      %dma_wait3A_309 = tpu.memref_slice %arg3[%dma_wait3A_307, %dma_wait3A_308] : memref<1000000x64xf32, #tpu.memory_space<hbm>> -> memref<1000000x64xf32, #tpu.memory_space<hbm>>
      tpu.wait_indirect_dma semaphore(%arg15 : memref<!tpu.dma_semaphore, #tpu.memory_space<semaphore_mem>>) src(%dma_wait3A_309 : memref<1000000x64xf32, #tpu.memory_space<hbm>>) dst(%arg7 : memref<200x64xf32, #tpu.memory_space<vmem>>)
      %add3A_310 = arith.addi %mul3A_2, %add3A_303 : i32
      %dma_start3A_311 = arith.constant 0 : i32
      %dma_start3A_312 = arith.constant 0 : i32
      %dma_start3A_313 = tpu.memref_slice %arg4[%add3A_310, %dma_start3A_311, %dma_start3A_312] : memref<4096x200x128xf32, #tpu.memory_space<hbm>> -> memref<1x200x64xf32, #tpu.memory_space<hbm>>
      %dma_start3A_314 = tpu.memref_squeeze %dma_start3A_313 : memref<1x200x64xf32, #tpu.memory_space<hbm>> -> memref<200x64xf32, #tpu.memory_space<hbm>>
      %dma_start3A_315 = arith.constant 0 : i32
      %dma_start3A_316 = arith.constant 0 : i32
      %dma_start3A_317 = tpu.memref_slice %arg4[%add3A_310, %dma_start3A_315, %dma_start3A_316] : memref<4096x200x128xf32, #tpu.memory_space<hbm>> -> memref<1x200x64xf32, #tpu.memory_space<hbm>>
      %dma_start3A_318 = tpu.memref_squeeze %dma_start3A_317 : memref<1x200x64xf32, #tpu.memory_space<hbm>> -> memref<200x64xf32, #tpu.memory_space<hbm>>
      tpu.enqueue_dma source(%arg7 : memref<200x64xf32, #tpu.memory_space<vmem>>) target(%dma_start3A_318 : memref<200x64xf32, #tpu.memory_space<hbm>>) target_semaphore(%arg23 : memref<!tpu.dma_semaphore, #tpu.memory_space<semaphore_mem>>)
      %mul3A_319 = arith.constant 8 : i32
      %mul3A_320 = arith.muli %scan3A_279, %mul3A_319 : i32
      %add3A_321 = arith.constant 2 : i32
      %add3A_322 = arith.addi %mul3A_320, %add3A_321 : i32
      %dma_wait3A_323 = arith.constant 0 : i32
      %dma_wait3A_324 = tpu.memref_slice %arg5[%add3A_322, %dma_wait3A_323] : memref<128x200xi32, #tpu.memory_space<vmem>> -> memref<1x200xi32, #tpu.memory_space<vmem>>
      %dma_wait3A_325 = tpu.memref_squeeze %dma_wait3A_324 : memref<1x200xi32, #tpu.memory_space<vmem>> -> memref<200xi32, #tpu.memory_space<vmem>>
      %dma_wait3A_326 = arith.constant 0 : i32
      %dma_wait3A_327 = arith.constant 0 : i32
      %dma_wait3A_328 = tpu.memref_slice %arg3[%dma_wait3A_326, %dma_wait3A_327] : memref<1000000x64xf32, #tpu.memory_space<hbm>> -> memref<1000000x64xf32, #tpu.memory_space<hbm>>
      tpu.wait_indirect_dma semaphore(%arg16 : memref<!tpu.dma_semaphore, #tpu.memory_space<semaphore_mem>>) src(%dma_wait3A_328 : memref<1000000x64xf32, #tpu.memory_space<hbm>>) dst(%arg8 : memref<200x64xf32, #tpu.memory_space<vmem>>)
      %add3A_329 = arith.addi %mul3A_2, %add3A_322 : i32
      %dma_start3A_330 = arith.constant 0 : i32
      %dma_start3A_331 = arith.constant 0 : i32
      %dma_start3A_332 = tpu.memref_slice %arg4[%add3A_329, %dma_start3A_330, %dma_start3A_331] : memref<4096x200x128xf32, #tpu.memory_space<hbm>> -> memref<1x200x64xf32, #tpu.memory_space<hbm>>
      %dma_start3A_333 = tpu.memref_squeeze %dma_start3A_332 : memref<1x200x64xf32, #tpu.memory_space<hbm>> -> memref<200x64xf32, #tpu.memory_space<hbm>>
      %dma_start3A_334 = arith.constant 0 : i32
      %dma_start3A_335 = arith.constant 0 : i32
      %dma_start3A_336 = tpu.memref_slice %arg4[%add3A_329, %dma_start3A_334, %dma_start3A_335] : memref<4096x200x128xf32, #tpu.memory_space<hbm>> -> memref<1x200x64xf32, #tpu.memory_space<hbm>>
      %dma_start3A_337 = tpu.memref_squeeze %dma_start3A_336 : memref<1x200x64xf32, #tpu.memory_space<hbm>> -> memref<200x64xf32, #tpu.memory_space<hbm>>
      tpu.enqueue_dma source(%arg8 : memref<200x64xf32, #tpu.memory_space<vmem>>) target(%dma_start3A_337 : memref<200x64xf32, #tpu.memory_space<hbm>>) target_semaphore(%arg24 : memref<!tpu.dma_semaphore, #tpu.memory_space<semaphore_mem>>)
      %mul3A_338 = arith.constant 8 : i32
      %mul3A_339 = arith.muli %scan3A_279, %mul3A_338 : i32
      %add3A_340 = arith.constant 3 : i32
      %add3A_341 = arith.addi %mul3A_339, %add3A_340 : i32
      %dma_wait3A_342 = arith.constant 0 : i32
      %dma_wait3A_343 = tpu.memref_slice %arg5[%add3A_341, %dma_wait3A_342] : memref<128x200xi32, #tpu.memory_space<vmem>> -> memref<1x200xi32, #tpu.memory_space<vmem>>
      %dma_wait3A_344 = tpu.memref_squeeze %dma_wait3A_343 : memref<1x200xi32, #tpu.memory_space<vmem>> -> memref<200xi32, #tpu.memory_space<vmem>>
      %dma_wait3A_345 = arith.constant 0 : i32
      %dma_wait3A_346 = arith.constant 0 : i32
      %dma_wait3A_347 = tpu.memref_slice %arg3[%dma_wait3A_345, %dma_wait3A_346] : memref<1000000x64xf32, #tpu.memory_space<hbm>> -> memref<1000000x64xf32, #tpu.memory_space<hbm>>
      tpu.wait_indirect_dma semaphore(%arg17 : memref<!tpu.dma_semaphore, #tpu.memory_space<semaphore_mem>>) src(%dma_wait3A_347 : memref<1000000x64xf32, #tpu.memory_space<hbm>>) dst(%arg9 : memref<200x64xf32, #tpu.memory_space<vmem>>)
      %add3A_348 = arith.addi %mul3A_2, %add3A_341 : i32
      %dma_start3A_349 = arith.constant 0 : i32
      %dma_start3A_350 = arith.constant 0 : i32
      %dma_start3A_351 = tpu.memref_slice %arg4[%add3A_348, %dma_start3A_349, %dma_start3A_350] : memref<4096x200x128xf32, #tpu.memory_space<hbm>> -> memref<1x200x64xf32, #tpu.memory_space<hbm>>
      %dma_start3A_352 = tpu.memref_squeeze %dma_start3A_351 : memref<1x200x64xf32, #tpu.memory_space<hbm>> -> memref<200x64xf32, #tpu.memory_space<hbm>>
      %dma_start3A_353 = arith.constant 0 : i32
      %dma_start3A_354 = arith.constant 0 : i32
      %dma_start3A_355 = tpu.memref_slice %arg4[%add3A_348, %dma_start3A_353, %dma_start3A_354] : memref<4096x200x128xf32, #tpu.memory_space<hbm>> -> memref<1x200x64xf32, #tpu.memory_space<hbm>>
      %dma_start3A_356 = tpu.memref_squeeze %dma_start3A_355 : memref<1x200x64xf32, #tpu.memory_space<hbm>> -> memref<200x64xf32, #tpu.memory_space<hbm>>
      tpu.enqueue_dma source(%arg9 : memref<200x64xf32, #tpu.memory_space<vmem>>) target(%dma_start3A_356 : memref<200x64xf32, #tpu.memory_space<hbm>>) target_semaphore(%arg25 : memref<!tpu.dma_semaphore, #tpu.memory_space<semaphore_mem>>)
      %mul3A_357 = arith.constant 8 : i32
      %mul3A_358 = arith.muli %scan3A_279, %mul3A_357 : i32
      %add3A_359 = arith.constant 4 : i32
      %add3A_360 = arith.addi %mul3A_358, %add3A_359 : i32
      %dma_wait3A_361 = arith.constant 0 : i32
      %dma_wait3A_362 = tpu.memref_slice %arg5[%add3A_360, %dma_wait3A_361] : memref<128x200xi32, #tpu.memory_space<vmem>> -> memref<1x200xi32, #tpu.memory_space<vmem>>
      %dma_wait3A_363 = tpu.memref_squeeze %dma_wait3A_362 : memref<1x200xi32, #tpu.memory_space<vmem>> -> memref<200xi32, #tpu.memory_space<vmem>>
      %dma_wait3A_364 = arith.constant 0 : i32
      %dma_wait3A_365 = arith.constant 0 : i32
      %dma_wait3A_366 = tpu.memref_slice %arg3[%dma_wait3A_364, %dma_wait3A_365] : memref<1000000x64xf32, #tpu.memory_space<hbm>> -> memref<1000000x64xf32, #tpu.memory_space<hbm>>
      tpu.wait_indirect_dma semaphore(%arg18 : memref<!tpu.dma_semaphore, #tpu.memory_space<semaphore_mem>>) src(%dma_wait3A_366 : memref<1000000x64xf32, #tpu.memory_space<hbm>>) dst(%arg10 : memref<200x64xf32, #tpu.memory_space<vmem>>)
      %add3A_367 = arith.addi %mul3A_2, %add3A_360 : i32
      %dma_start3A_368 = arith.constant 0 : i32
      %dma_start3A_369 = arith.constant 0 : i32
      %dma_start3A_370 = tpu.memref_slice %arg4[%add3A_367, %dma_start3A_368, %dma_start3A_369] : memref<4096x200x128xf32, #tpu.memory_space<hbm>> -> memref<1x200x64xf32, #tpu.memory_space<hbm>>
      %dma_start3A_371 = tpu.memref_squeeze %dma_start3A_370 : memref<1x200x64xf32, #tpu.memory_space<hbm>> -> memref<200x64xf32, #tpu.memory_space<hbm>>
      %dma_start3A_372 = arith.constant 0 : i32
      %dma_start3A_373 = arith.constant 0 : i32
      %dma_start3A_374 = tpu.memref_slice %arg4[%add3A_367, %dma_start3A_372, %dma_start3A_373] : memref<4096x200x128xf32, #tpu.memory_space<hbm>> -> memref<1x200x64xf32, #tpu.memory_space<hbm>>
      %dma_start3A_375 = tpu.memref_squeeze %dma_start3A_374 : memref<1x200x64xf32, #tpu.memory_space<hbm>> -> memref<200x64xf32, #tpu.memory_space<hbm>>
      tpu.enqueue_dma source(%arg10 : memref<200x64xf32, #tpu.memory_space<vmem>>) target(%dma_start3A_375 : memref<200x64xf32, #tpu.memory_space<hbm>>) target_semaphore(%arg26 : memref<!tpu.dma_semaphore, #tpu.memory_space<semaphore_mem>>)
      %mul3A_376 = arith.constant 8 : i32
      %mul3A_377 = arith.muli %scan3A_279, %mul3A_376 : i32
      %add3A_378 = arith.constant 5 : i32
      %add3A_379 = arith.addi %mul3A_377, %add3A_378 : i32
      %dma_wait3A_380 = arith.constant 0 : i32
      %dma_wait3A_381 = tpu.memref_slice %arg5[%add3A_379, %dma_wait3A_380] : memref<128x200xi32, #tpu.memory_space<vmem>> -> memref<1x200xi32, #tpu.memory_space<vmem>>
      %dma_wait3A_382 = tpu.memref_squeeze %dma_wait3A_381 : memref<1x200xi32, #tpu.memory_space<vmem>> -> memref<200xi32, #tpu.memory_space<vmem>>
      %dma_wait3A_383 = arith.constant 0 : i32
      %dma_wait3A_384 = arith.constant 0 : i32
      %dma_wait3A_385 = tpu.memref_slice %arg3[%dma_wait3A_383, %dma_wait3A_384] : memref<1000000x64xf32, #tpu.memory_space<hbm>> -> memref<1000000x64xf32, #tpu.memory_space<hbm>>
      tpu.wait_indirect_dma semaphore(%arg19 : memref<!tpu.dma_semaphore, #tpu.memory_space<semaphore_mem>>) src(%dma_wait3A_385 : memref<1000000x64xf32, #tpu.memory_space<hbm>>) dst(%arg11 : memref<200x64xf32, #tpu.memory_space<vmem>>)
      %add3A_386 = arith.addi %mul3A_2, %add3A_379 : i32
      %dma_start3A_387 = arith.constant 0 : i32
      %dma_start3A_388 = arith.constant 0 : i32
      %dma_start3A_389 = tpu.memref_slice %arg4[%add3A_386, %dma_start3A_387, %dma_start3A_388] : memref<4096x200x128xf32, #tpu.memory_space<hbm>> -> memref<1x200x64xf32, #tpu.memory_space<hbm>>
      %dma_start3A_390 = tpu.memref_squeeze %dma_start3A_389 : memref<1x200x64xf32, #tpu.memory_space<hbm>> -> memref<200x64xf32, #tpu.memory_space<hbm>>
      %dma_start3A_391 = arith.constant 0 : i32
      %dma_start3A_392 = arith.constant 0 : i32
      %dma_start3A_393 = tpu.memref_slice %arg4[%add3A_386, %dma_start3A_391, %dma_start3A_392] : memref<4096x200x128xf32, #tpu.memory_space<hbm>> -> memref<1x200x64xf32, #tpu.memory_space<hbm>>
      %dma_start3A_394 = tpu.memref_squeeze %dma_start3A_393 : memref<1x200x64xf32, #tpu.memory_space<hbm>> -> memref<200x64xf32, #tpu.memory_space<hbm>>
      tpu.enqueue_dma source(%arg11 : memref<200x64xf32, #tpu.memory_space<vmem>>) target(%dma_start3A_394 : memref<200x64xf32, #tpu.memory_space<hbm>>) target_semaphore(%arg27 : memref<!tpu.dma_semaphore, #tpu.memory_space<semaphore_mem>>)
      %mul3A_395 = arith.constant 8 : i32
      %mul3A_396 = arith.muli %scan3A_279, %mul3A_395 : i32
      %add3A_397 = arith.constant 6 : i32
      %add3A_398 = arith.addi %mul3A_396, %add3A_397 : i32
      %dma_wait3A_399 = arith.constant 0 : i32
      %dma_wait3A_400 = tpu.memref_slice %arg5[%add3A_398, %dma_wait3A_399] : memref<128x200xi32, #tpu.memory_space<vmem>> -> memref<1x200xi32, #tpu.memory_space<vmem>>
      %dma_wait3A_401 = tpu.memref_squeeze %dma_wait3A_400 : memref<1x200xi32, #tpu.memory_space<vmem>> -> memref<200xi32, #tpu.memory_space<vmem>>
      %dma_wait3A_402 = arith.constant 0 : i32
      %dma_wait3A_403 = arith.constant 0 : i32
      %dma_wait3A_404 = tpu.memref_slice %arg3[%dma_wait3A_402, %dma_wait3A_403] : memref<1000000x64xf32, #tpu.memory_space<hbm>> -> memref<1000000x64xf32, #tpu.memory_space<hbm>>
      tpu.wait_indirect_dma semaphore(%arg20 : memref<!tpu.dma_semaphore, #tpu.memory_space<semaphore_mem>>) src(%dma_wait3A_404 : memref<1000000x64xf32, #tpu.memory_space<hbm>>) dst(%arg12 : memref<200x64xf32, #tpu.memory_space<vmem>>)
      %add3A_405 = arith.addi %mul3A_2, %add3A_398 : i32
      %dma_start3A_406 = arith.constant 0 : i32
      %dma_start3A_407 = arith.constant 0 : i32
      %dma_start3A_408 = tpu.memref_slice %arg4[%add3A_405, %dma_start3A_406, %dma_start3A_407] : memref<4096x200x128xf32, #tpu.memory_space<hbm>> -> memref<1x200x64xf32, #tpu.memory_space<hbm>>
      %dma_start3A_409 = tpu.memref_squeeze %dma_start3A_408 : memref<1x200x64xf32, #tpu.memory_space<hbm>> -> memref<200x64xf32, #tpu.memory_space<hbm>>
      %dma_start3A_410 = arith.constant 0 : i32
      %dma_start3A_411 = arith.constant 0 : i32
      %dma_start3A_412 = tpu.memref_slice %arg4[%add3A_405, %dma_start3A_410, %dma_start3A_411] : memref<4096x200x128xf32, #tpu.memory_space<hbm>> -> memref<1x200x64xf32, #tpu.memory_space<hbm>>
      %dma_start3A_413 = tpu.memref_squeeze %dma_start3A_412 : memref<1x200x64xf32, #tpu.memory_space<hbm>> -> memref<200x64xf32, #tpu.memory_space<hbm>>
      tpu.enqueue_dma source(%arg12 : memref<200x64xf32, #tpu.memory_space<vmem>>) target(%dma_start3A_413 : memref<200x64xf32, #tpu.memory_space<hbm>>) target_semaphore(%arg28 : memref<!tpu.dma_semaphore, #tpu.memory_space<semaphore_mem>>)
      %mul3A_414 = arith.constant 8 : i32
      %mul3A_415 = arith.muli %scan3A_279, %mul3A_414 : i32
      %add3A_416 = arith.constant 7 : i32
      %add3A_417 = arith.addi %mul3A_415, %add3A_416 : i32
      %dma_wait3A_418 = arith.constant 0 : i32
      %dma_wait3A_419 = tpu.memref_slice %arg5[%add3A_417, %dma_wait3A_418] : memref<128x200xi32, #tpu.memory_space<vmem>> -> memref<1x200xi32, #tpu.memory_space<vmem>>
      %dma_wait3A_420 = tpu.memref_squeeze %dma_wait3A_419 : memref<1x200xi32, #tpu.memory_space<vmem>> -> memref<200xi32, #tpu.memory_space<vmem>>
      %dma_wait3A_421 = arith.constant 0 : i32
      %dma_wait3A_422 = arith.constant 0 : i32
      %dma_wait3A_423 = tpu.memref_slice %arg3[%dma_wait3A_421, %dma_wait3A_422] : memref<1000000x64xf32, #tpu.memory_space<hbm>> -> memref<1000000x64xf32, #tpu.memory_space<hbm>>
      tpu.wait_indirect_dma semaphore(%arg21 : memref<!tpu.dma_semaphore, #tpu.memory_space<semaphore_mem>>) src(%dma_wait3A_423 : memref<1000000x64xf32, #tpu.memory_space<hbm>>) dst(%arg13 : memref<200x64xf32, #tpu.memory_space<vmem>>)
      %add3A_424 = arith.addi %mul3A_2, %add3A_417 : i32
      %dma_start3A_425 = arith.constant 0 : i32
      %dma_start3A_426 = arith.constant 0 : i32
      %dma_start3A_427 = tpu.memref_slice %arg4[%add3A_424, %dma_start3A_425, %dma_start3A_426] : memref<4096x200x128xf32, #tpu.memory_space<hbm>> -> memref<1x200x64xf32, #tpu.memory_space<hbm>>
      %dma_start3A_428 = tpu.memref_squeeze %dma_start3A_427 : memref<1x200x64xf32, #tpu.memory_space<hbm>> -> memref<200x64xf32, #tpu.memory_space<hbm>>
      %dma_start3A_429 = arith.constant 0 : i32
      %dma_start3A_430 = arith.constant 0 : i32
      %dma_start3A_431 = tpu.memref_slice %arg4[%add3A_424, %dma_start3A_429, %dma_start3A_430] : memref<4096x200x128xf32, #tpu.memory_space<hbm>> -> memref<1x200x64xf32, #tpu.memory_space<hbm>>
      %dma_start3A_432 = tpu.memref_squeeze %dma_start3A_431 : memref<1x200x64xf32, #tpu.memory_space<hbm>> -> memref<200x64xf32, #tpu.memory_space<hbm>>
      tpu.enqueue_dma source(%arg13 : memref<200x64xf32, #tpu.memory_space<vmem>>) target(%dma_start3A_432 : memref<200x64xf32, #tpu.memory_space<hbm>>) target_semaphore(%arg29 : memref<!tpu.dma_semaphore, #tpu.memory_space<semaphore_mem>>)
      %mul3A_433 = arith.constant 8 : i32
      %mul3A_434 = arith.muli %scan3A_279, %mul3A_433 : i32
      %add3A_435 = arith.constant 0 : i32
      %add3A_436 = arith.addi %mul3A_434, %add3A_435 : i32
      %add3A_437 = arith.addi %mul3A_2, %add3A_436 : i32
      %dma_wait3A_438 = arith.constant 0 : i32
      %dma_wait3A_439 = arith.constant 0 : i32
      %dma_wait3A_440 = tpu.memref_slice %arg4[%add3A_437, %dma_wait3A_438, %dma_wait3A_439] : memref<4096x200x128xf32, #tpu.memory_space<hbm>> -> memref<1x200x64xf32, #tpu.memory_space<hbm>>
      %dma_wait3A_441 = tpu.memref_squeeze %dma_wait3A_440 : memref<1x200x64xf32, #tpu.memory_space<hbm>> -> memref<200x64xf32, #tpu.memory_space<hbm>>
      %dma_wait3A_442 = arith.constant 0 : i32
      %dma_wait3A_443 = arith.constant 0 : i32
      %dma_wait3A_444 = tpu.memref_slice %arg4[%add3A_437, %dma_wait3A_442, %dma_wait3A_443] : memref<4096x200x128xf32, #tpu.memory_space<hbm>> -> memref<1x200x64xf32, #tpu.memory_space<hbm>>
      %dma_wait3A_445 = tpu.memref_squeeze %dma_wait3A_444 : memref<1x200x64xf32, #tpu.memory_space<hbm>> -> memref<200x64xf32, #tpu.memory_space<hbm>>
      tpu.wait_dma2 semaphore(%arg22 : memref<!tpu.dma_semaphore, #tpu.memory_space<semaphore_mem>>) src(%arg6 : memref<200x64xf32, #tpu.memory_space<vmem>>) dst(%dma_wait3A_445 : memref<200x64xf32, #tpu.memory_space<hbm>>)
      %add3A_446 = arith.constant 8 : i32
      %add3A_447 = arith.addi %add3A_436, %add3A_446 : i32
      %dma_start3A_448 = arith.constant 0 : i32
      %dma_start3A_449 = tpu.memref_slice %arg5[%add3A_447, %dma_start3A_448] : memref<128x200xi32, #tpu.memory_space<vmem>> -> memref<1x200xi32, #tpu.memory_space<vmem>>
      %dma_start3A_450 = tpu.memref_squeeze %dma_start3A_449 : memref<1x200xi32, #tpu.memory_space<vmem>> -> memref<200xi32, #tpu.memory_space<vmem>>
      %dma_start3A_451 = arith.constant 0 : i32
      %dma_start3A_452 = arith.constant 0 : i32
      %dma_start3A_453 = tpu.memref_slice %arg3[%dma_start3A_451, %dma_start3A_452] : memref<1000000x64xf32, #tpu.memory_space<hbm>> -> memref<1000000x64xf32, #tpu.memory_space<hbm>>
      tpu.enqueue_indirect_dma source(%dma_start3A_453 : memref<1000000x64xf32, #tpu.memory_space<hbm>>) target(%arg6 : memref<200x64xf32, #tpu.memory_space<vmem>>) offsets(%dma_start3A_450 : memref<200xi32, #tpu.memory_space<vmem>>) semaphore(%arg14 : memref<!tpu.dma_semaphore, #tpu.memory_space<semaphore_mem>>)
      %mul3A_454 = arith.constant 8 : i32
      %mul3A_455 = arith.muli %scan3A_279, %mul3A_454 : i32
      %add3A_456 = arith.constant 1 : i32
      %add3A_457 = arith.addi %mul3A_455, %add3A_456 : i32
      %add3A_458 = arith.addi %mul3A_2, %add3A_457 : i32
      %dma_wait3A_459 = arith.constant 0 : i32
      %dma_wait3A_460 = arith.constant 0 : i32
      %dma_wait3A_461 = tpu.memref_slice %arg4[%add3A_458, %dma_wait3A_459, %dma_wait3A_460] : memref<4096x200x128xf32, #tpu.memory_space<hbm>> -> memref<1x200x64xf32, #tpu.memory_space<hbm>>
      %dma_wait3A_462 = tpu.memref_squeeze %dma_wait3A_461 : memref<1x200x64xf32, #tpu.memory_space<hbm>> -> memref<200x64xf32, #tpu.memory_space<hbm>>
      %dma_wait3A_463 = arith.constant 0 : i32
      %dma_wait3A_464 = arith.constant 0 : i32
      %dma_wait3A_465 = tpu.memref_slice %arg4[%add3A_458, %dma_wait3A_463, %dma_wait3A_464] : memref<4096x200x128xf32, #tpu.memory_space<hbm>> -> memref<1x200x64xf32, #tpu.memory_space<hbm>>
      %dma_wait3A_466 = tpu.memref_squeeze %dma_wait3A_465 : memref<1x200x64xf32, #tpu.memory_space<hbm>> -> memref<200x64xf32, #tpu.memory_space<hbm>>
      tpu.wait_dma2 semaphore(%arg23 : memref<!tpu.dma_semaphore, #tpu.memory_space<semaphore_mem>>) src(%arg7 : memref<200x64xf32, #tpu.memory_space<vmem>>) dst(%dma_wait3A_466 : memref<200x64xf32, #tpu.memory_space<hbm>>)
      %add3A_467 = arith.constant 8 : i32
      %add3A_468 = arith.addi %add3A_457, %add3A_467 : i32
      %dma_start3A_469 = arith.constant 0 : i32
      %dma_start3A_470 = tpu.memref_slice %arg5[%add3A_468, %dma_start3A_469] : memref<128x200xi32, #tpu.memory_space<vmem>> -> memref<1x200xi32, #tpu.memory_space<vmem>>
      %dma_start3A_471 = tpu.memref_squeeze %dma_start3A_470 : memref<1x200xi32, #tpu.memory_space<vmem>> -> memref<200xi32, #tpu.memory_space<vmem>>
      %dma_start3A_472 = arith.constant 0 : i32
      %dma_start3A_473 = arith.constant 0 : i32
      %dma_start3A_474 = tpu.memref_slice %arg3[%dma_start3A_472, %dma_start3A_473] : memref<1000000x64xf32, #tpu.memory_space<hbm>> -> memref<1000000x64xf32, #tpu.memory_space<hbm>>
      tpu.enqueue_indirect_dma source(%dma_start3A_474 : memref<1000000x64xf32, #tpu.memory_space<hbm>>) target(%arg7 : memref<200x64xf32, #tpu.memory_space<vmem>>) offsets(%dma_start3A_471 : memref<200xi32, #tpu.memory_space<vmem>>) semaphore(%arg15 : memref<!tpu.dma_semaphore, #tpu.memory_space<semaphore_mem>>)
      %mul3A_475 = arith.constant 8 : i32
      %mul3A_476 = arith.muli %scan3A_279, %mul3A_475 : i32
      %add3A_477 = arith.constant 2 : i32
      %add3A_478 = arith.addi %mul3A_476, %add3A_477 : i32
      %add3A_479 = arith.addi %mul3A_2, %add3A_478 : i32
      %dma_wait3A_480 = arith.constant 0 : i32
      %dma_wait3A_481 = arith.constant 0 : i32
      %dma_wait3A_482 = tpu.memref_slice %arg4[%add3A_479, %dma_wait3A_480, %dma_wait3A_481] : memref<4096x200x128xf32, #tpu.memory_space<hbm>> -> memref<1x200x64xf32, #tpu.memory_space<hbm>>
      %dma_wait3A_483 = tpu.memref_squeeze %dma_wait3A_482 : memref<1x200x64xf32, #tpu.memory_space<hbm>> -> memref<200x64xf32, #tpu.memory_space<hbm>>
      %dma_wait3A_484 = arith.constant 0 : i32
      %dma_wait3A_485 = arith.constant 0 : i32
      %dma_wait3A_486 = tpu.memref_slice %arg4[%add3A_479, %dma_wait3A_484, %dma_wait3A_485] : memref<4096x200x128xf32, #tpu.memory_space<hbm>> -> memref<1x200x64xf32, #tpu.memory_space<hbm>>
      %dma_wait3A_487 = tpu.memref_squeeze %dma_wait3A_486 : memref<1x200x64xf32, #tpu.memory_space<hbm>> -> memref<200x64xf32, #tpu.memory_space<hbm>>
      tpu.wait_dma2 semaphore(%arg24 : memref<!tpu.dma_semaphore, #tpu.memory_space<semaphore_mem>>) src(%arg8 : memref<200x64xf32, #tpu.memory_space<vmem>>) dst(%dma_wait3A_487 : memref<200x64xf32, #tpu.memory_space<hbm>>)
      %add3A_488 = arith.constant 8 : i32
      %add3A_489 = arith.addi %add3A_478, %add3A_488 : i32
      %dma_start3A_490 = arith.constant 0 : i32
      %dma_start3A_491 = tpu.memref_slice %arg5[%add3A_489, %dma_start3A_490] : memref<128x200xi32, #tpu.memory_space<vmem>> -> memref<1x200xi32, #tpu.memory_space<vmem>>
      %dma_start3A_492 = tpu.memref_squeeze %dma_start3A_491 : memref<1x200xi32, #tpu.memory_space<vmem>> -> memref<200xi32, #tpu.memory_space<vmem>>
      %dma_start3A_493 = arith.constant 0 : i32
      %dma_start3A_494 = arith.constant 0 : i32
      %dma_start3A_495 = tpu.memref_slice %arg3[%dma_start3A_493, %dma_start3A_494] : memref<1000000x64xf32, #tpu.memory_space<hbm>> -> memref<1000000x64xf32, #tpu.memory_space<hbm>>
      tpu.enqueue_indirect_dma source(%dma_start3A_495 : memref<1000000x64xf32, #tpu.memory_space<hbm>>) target(%arg8 : memref<200x64xf32, #tpu.memory_space<vmem>>) offsets(%dma_start3A_492 : memref<200xi32, #tpu.memory_space<vmem>>) semaphore(%arg16 : memref<!tpu.dma_semaphore, #tpu.memory_space<semaphore_mem>>)
      %mul3A_496 = arith.constant 8 : i32
      %mul3A_497 = arith.muli %scan3A_279, %mul3A_496 : i32
      %add3A_498 = arith.constant 3 : i32
      %add3A_499 = arith.addi %mul3A_497, %add3A_498 : i32
      %add3A_500 = arith.addi %mul3A_2, %add3A_499 : i32
      %dma_wait3A_501 = arith.constant 0 : i32
      %dma_wait3A_502 = arith.constant 0 : i32
      %dma_wait3A_503 = tpu.memref_slice %arg4[%add3A_500, %dma_wait3A_501, %dma_wait3A_502] : memref<4096x200x128xf32, #tpu.memory_space<hbm>> -> memref<1x200x64xf32, #tpu.memory_space<hbm>>
      %dma_wait3A_504 = tpu.memref_squeeze %dma_wait3A_503 : memref<1x200x64xf32, #tpu.memory_space<hbm>> -> memref<200x64xf32, #tpu.memory_space<hbm>>
      %dma_wait3A_505 = arith.constant 0 : i32
      %dma_wait3A_506 = arith.constant 0 : i32
      %dma_wait3A_507 = tpu.memref_slice %arg4[%add3A_500, %dma_wait3A_505, %dma_wait3A_506] : memref<4096x200x128xf32, #tpu.memory_space<hbm>> -> memref<1x200x64xf32, #tpu.memory_space<hbm>>
      %dma_wait3A_508 = tpu.memref_squeeze %dma_wait3A_507 : memref<1x200x64xf32, #tpu.memory_space<hbm>> -> memref<200x64xf32, #tpu.memory_space<hbm>>
      tpu.wait_dma2 semaphore(%arg25 : memref<!tpu.dma_semaphore, #tpu.memory_space<semaphore_mem>>) src(%arg9 : memref<200x64xf32, #tpu.memory_space<vmem>>) dst(%dma_wait3A_508 : memref<200x64xf32, #tpu.memory_space<hbm>>)
      %add3A_509 = arith.constant 8 : i32
      %add3A_510 = arith.addi %add3A_499, %add3A_509 : i32
      %dma_start3A_511 = arith.constant 0 : i32
      %dma_start3A_512 = tpu.memref_slice %arg5[%add3A_510, %dma_start3A_511] : memref<128x200xi32, #tpu.memory_space<vmem>> -> memref<1x200xi32, #tpu.memory_space<vmem>>
      %dma_start3A_513 = tpu.memref_squeeze %dma_start3A_512 : memref<1x200xi32, #tpu.memory_space<vmem>> -> memref<200xi32, #tpu.memory_space<vmem>>
      %dma_start3A_514 = arith.constant 0 : i32
      %dma_start3A_515 = arith.constant 0 : i32
      %dma_start3A_516 = tpu.memref_slice %arg3[%dma_start3A_514, %dma_start3A_515] : memref<1000000x64xf32, #tpu.memory_space<hbm>> -> memref<1000000x64xf32, #tpu.memory_space<hbm>>
      tpu.enqueue_indirect_dma source(%dma_start3A_516 : memref<1000000x64xf32, #tpu.memory_space<hbm>>) target(%arg9 : memref<200x64xf32, #tpu.memory_space<vmem>>) offsets(%dma_start3A_513 : memref<200xi32, #tpu.memory_space<vmem>>) semaphore(%arg17 : memref<!tpu.dma_semaphore, #tpu.memory_space<semaphore_mem>>)
      %mul3A_517 = arith.constant 8 : i32
      %mul3A_518 = arith.muli %scan3A_279, %mul3A_517 : i32
      %add3A_519 = arith.constant 4 : i32
      %add3A_520 = arith.addi %mul3A_518, %add3A_519 : i32
      %add3A_521 = arith.addi %mul3A_2, %add3A_520 : i32
      %dma_wait3A_522 = arith.constant 0 : i32
      %dma_wait3A_523 = arith.constant 0 : i32
      %dma_wait3A_524 = tpu.memref_slice %arg4[%add3A_521, %dma_wait3A_522, %dma_wait3A_523] : memref<4096x200x128xf32, #tpu.memory_space<hbm>> -> memref<1x200x64xf32, #tpu.memory_space<hbm>>
      %dma_wait3A_525 = tpu.memref_squeeze %dma_wait3A_524 : memref<1x200x64xf32, #tpu.memory_space<hbm>> -> memref<200x64xf32, #tpu.memory_space<hbm>>
      %dma_wait3A_526 = arith.constant 0 : i32
      %dma_wait3A_527 = arith.constant 0 : i32
      %dma_wait3A_528 = tpu.memref_slice %arg4[%add3A_521, %dma_wait3A_526, %dma_wait3A_527] : memref<4096x200x128xf32, #tpu.memory_space<hbm>> -> memref<1x200x64xf32, #tpu.memory_space<hbm>>
      %dma_wait3A_529 = tpu.memref_squeeze %dma_wait3A_528 : memref<1x200x64xf32, #tpu.memory_space<hbm>> -> memref<200x64xf32, #tpu.memory_space<hbm>>
      tpu.wait_dma2 semaphore(%arg26 : memref<!tpu.dma_semaphore, #tpu.memory_space<semaphore_mem>>) src(%arg10 : memref<200x64xf32, #tpu.memory_space<vmem>>) dst(%dma_wait3A_529 : memref<200x64xf32, #tpu.memory_space<hbm>>)
      %add3A_530 = arith.constant 8 : i32
      %add3A_531 = arith.addi %add3A_520, %add3A_530 : i32
      %dma_start3A_532 = arith.constant 0 : i32
      %dma_start3A_533 = tpu.memref_slice %arg5[%add3A_531, %dma_start3A_532] : memref<128x200xi32, #tpu.memory_space<vmem>> -> memref<1x200xi32, #tpu.memory_space<vmem>>
      %dma_start3A_534 = tpu.memref_squeeze %dma_start3A_533 : memref<1x200xi32, #tpu.memory_space<vmem>> -> memref<200xi32, #tpu.memory_space<vmem>>
      %dma_start3A_535 = arith.constant 0 : i32
      %dma_start3A_536 = arith.constant 0 : i32
      %dma_start3A_537 = tpu.memref_slice %arg3[%dma_start3A_535, %dma_start3A_536] : memref<1000000x64xf32, #tpu.memory_space<hbm>> -> memref<1000000x64xf32, #tpu.memory_space<hbm>>
      tpu.enqueue_indirect_dma source(%dma_start3A_537 : memref<1000000x64xf32, #tpu.memory_space<hbm>>) target(%arg10 : memref<200x64xf32, #tpu.memory_space<vmem>>) offsets(%dma_start3A_534 : memref<200xi32, #tpu.memory_space<vmem>>) semaphore(%arg18 : memref<!tpu.dma_semaphore, #tpu.memory_space<semaphore_mem>>)
      %mul3A_538 = arith.constant 8 : i32
      %mul3A_539 = arith.muli %scan3A_279, %mul3A_538 : i32
      %add3A_540 = arith.constant 5 : i32
      %add3A_541 = arith.addi %mul3A_539, %add3A_540 : i32
      %add3A_542 = arith.addi %mul3A_2, %add3A_541 : i32
      %dma_wait3A_543 = arith.constant 0 : i32
      %dma_wait3A_544 = arith.constant 0 : i32
      %dma_wait3A_545 = tpu.memref_slice %arg4[%add3A_542, %dma_wait3A_543, %dma_wait3A_544] : memref<4096x200x128xf32, #tpu.memory_space<hbm>> -> memref<1x200x64xf32, #tpu.memory_space<hbm>>
      %dma_wait3A_546 = tpu.memref_squeeze %dma_wait3A_545 : memref<1x200x64xf32, #tpu.memory_space<hbm>> -> memref<200x64xf32, #tpu.memory_space<hbm>>
      %dma_wait3A_547 = arith.constant 0 : i32
      %dma_wait3A_548 = arith.constant 0 : i32
      %dma_wait3A_549 = tpu.memref_slice %arg4[%add3A_542, %dma_wait3A_547, %dma_wait3A_548] : memref<4096x200x128xf32, #tpu.memory_space<hbm>> -> memref<1x200x64xf32, #tpu.memory_space<hbm>>
      %dma_wait3A_550 = tpu.memref_squeeze %dma_wait3A_549 : memref<1x200x64xf32, #tpu.memory_space<hbm>> -> memref<200x64xf32, #tpu.memory_space<hbm>>
      tpu.wait_dma2 semaphore(%arg27 : memref<!tpu.dma_semaphore, #tpu.memory_space<semaphore_mem>>) src(%arg11 : memref<200x64xf32, #tpu.memory_space<vmem>>) dst(%dma_wait3A_550 : memref<200x64xf32, #tpu.memory_space<hbm>>)
      %add3A_551 = arith.constant 8 : i32
      %add3A_552 = arith.addi %add3A_541, %add3A_551 : i32
      %dma_start3A_553 = arith.constant 0 : i32
      %dma_start3A_554 = tpu.memref_slice %arg5[%add3A_552, %dma_start3A_553] : memref<128x200xi32, #tpu.memory_space<vmem>> -> memref<1x200xi32, #tpu.memory_space<vmem>>
      %dma_start3A_555 = tpu.memref_squeeze %dma_start3A_554 : memref<1x200xi32, #tpu.memory_space<vmem>> -> memref<200xi32, #tpu.memory_space<vmem>>
      %dma_start3A_556 = arith.constant 0 : i32
      %dma_start3A_557 = arith.constant 0 : i32
      %dma_start3A_558 = tpu.memref_slice %arg3[%dma_start3A_556, %dma_start3A_557] : memref<1000000x64xf32, #tpu.memory_space<hbm>> -> memref<1000000x64xf32, #tpu.memory_space<hbm>>
      tpu.enqueue_indirect_dma source(%dma_start3A_558 : memref<1000000x64xf32, #tpu.memory_space<hbm>>) target(%arg11 : memref<200x64xf32, #tpu.memory_space<vmem>>) offsets(%dma_start3A_555 : memref<200xi32, #tpu.memory_space<vmem>>) semaphore(%arg19 : memref<!tpu.dma_semaphore, #tpu.memory_space<semaphore_mem>>)
      %mul3A_559 = arith.constant 8 : i32
      %mul3A_560 = arith.muli %scan3A_279, %mul3A_559 : i32
      %add3A_561 = arith.constant 6 : i32
      %add3A_562 = arith.addi %mul3A_560, %add3A_561 : i32
      %add3A_563 = arith.addi %mul3A_2, %add3A_562 : i32
      %dma_wait3A_564 = arith.constant 0 : i32
      %dma_wait3A_565 = arith.constant 0 : i32
      %dma_wait3A_566 = tpu.memref_slice %arg4[%add3A_563, %dma_wait3A_564, %dma_wait3A_565] : memref<4096x200x128xf32, #tpu.memory_space<hbm>> -> memref<1x200x64xf32, #tpu.memory_space<hbm>>
      %dma_wait3A_567 = tpu.memref_squeeze %dma_wait3A_566 : memref<1x200x64xf32, #tpu.memory_space<hbm>> -> memref<200x64xf32, #tpu.memory_space<hbm>>
      %dma_wait3A_568 = arith.constant 0 : i32
      %dma_wait3A_569 = arith.constant 0 : i32
      %dma_wait3A_570 = tpu.memref_slice %arg4[%add3A_563, %dma_wait3A_568, %dma_wait3A_569] : memref<4096x200x128xf32, #tpu.memory_space<hbm>> -> memref<1x200x64xf32, #tpu.memory_space<hbm>>
      %dma_wait3A_571 = tpu.memref_squeeze %dma_wait3A_570 : memref<1x200x64xf32, #tpu.memory_space<hbm>> -> memref<200x64xf32, #tpu.memory_space<hbm>>
      tpu.wait_dma2 semaphore(%arg28 : memref<!tpu.dma_semaphore, #tpu.memory_space<semaphore_mem>>) src(%arg12 : memref<200x64xf32, #tpu.memory_space<vmem>>) dst(%dma_wait3A_571 : memref<200x64xf32, #tpu.memory_space<hbm>>)
      %add3A_572 = arith.constant 8 : i32
      %add3A_573 = arith.addi %add3A_562, %add3A_572 : i32
      %dma_start3A_574 = arith.constant 0 : i32
      %dma_start3A_575 = tpu.memref_slice %arg5[%add3A_573, %dma_start3A_574] : memref<128x200xi32, #tpu.memory_space<vmem>> -> memref<1x200xi32, #tpu.memory_space<vmem>>
      %dma_start3A_576 = tpu.memref_squeeze %dma_start3A_575 : memref<1x200xi32, #tpu.memory_space<vmem>> -> memref<200xi32, #tpu.memory_space<vmem>>
      %dma_start3A_577 = arith.constant 0 : i32
      %dma_start3A_578 = arith.constant 0 : i32
      %dma_start3A_579 = tpu.memref_slice %arg3[%dma_start3A_577, %dma_start3A_578] : memref<1000000x64xf32, #tpu.memory_space<hbm>> -> memref<1000000x64xf32, #tpu.memory_space<hbm>>
      tpu.enqueue_indirect_dma source(%dma_start3A_579 : memref<1000000x64xf32, #tpu.memory_space<hbm>>) target(%arg12 : memref<200x64xf32, #tpu.memory_space<vmem>>) offsets(%dma_start3A_576 : memref<200xi32, #tpu.memory_space<vmem>>) semaphore(%arg20 : memref<!tpu.dma_semaphore, #tpu.memory_space<semaphore_mem>>)
      %mul3A_580 = arith.constant 8 : i32
      %mul3A_581 = arith.muli %scan3A_279, %mul3A_580 : i32
      %add3A_582 = arith.constant 7 : i32
      %add3A_583 = arith.addi %mul3A_581, %add3A_582 : i32
      %add3A_584 = arith.addi %mul3A_2, %add3A_583 : i32
      %dma_wait3A_585 = arith.constant 0 : i32
      %dma_wait3A_586 = arith.constant 0 : i32
      %dma_wait3A_587 = tpu.memref_slice %arg4[%add3A_584, %dma_wait3A_585, %dma_wait3A_586] : memref<4096x200x128xf32, #tpu.memory_space<hbm>> -> memref<1x200x64xf32, #tpu.memory_space<hbm>>
      %dma_wait3A_588 = tpu.memref_squeeze %dma_wait3A_587 : memref<1x200x64xf32, #tpu.memory_space<hbm>> -> memref<200x64xf32, #tpu.memory_space<hbm>>
      %dma_wait3A_589 = arith.constant 0 : i32
      %dma_wait3A_590 = arith.constant 0 : i32
      %dma_wait3A_591 = tpu.memref_slice %arg4[%add3A_584, %dma_wait3A_589, %dma_wait3A_590] : memref<4096x200x128xf32, #tpu.memory_space<hbm>> -> memref<1x200x64xf32, #tpu.memory_space<hbm>>
      %dma_wait3A_592 = tpu.memref_squeeze %dma_wait3A_591 : memref<1x200x64xf32, #tpu.memory_space<hbm>> -> memref<200x64xf32, #tpu.memory_space<hbm>>
      tpu.wait_dma2 semaphore(%arg29 : memref<!tpu.dma_semaphore, #tpu.memory_space<semaphore_mem>>) src(%arg13 : memref<200x64xf32, #tpu.memory_space<vmem>>) dst(%dma_wait3A_592 : memref<200x64xf32, #tpu.memory_space<hbm>>)
      %add3A_593 = arith.constant 8 : i32
      %add3A_594 = arith.addi %add3A_583, %add3A_593 : i32
      %dma_start3A_595 = arith.constant 0 : i32
      %dma_start3A_596 = tpu.memref_slice %arg5[%add3A_594, %dma_start3A_595] : memref<128x200xi32, #tpu.memory_space<vmem>> -> memref<1x200xi32, #tpu.memory_space<vmem>>
      %dma_start3A_597 = tpu.memref_squeeze %dma_start3A_596 : memref<1x200xi32, #tpu.memory_space<vmem>> -> memref<200xi32, #tpu.memory_space<vmem>>
      %dma_start3A_598 = arith.constant 0 : i32
      %dma_start3A_599 = arith.constant 0 : i32
      %dma_start3A_600 = tpu.memref_slice %arg3[%dma_start3A_598, %dma_start3A_599] : memref<1000000x64xf32, #tpu.memory_space<hbm>> -> memref<1000000x64xf32, #tpu.memory_space<hbm>>
      tpu.enqueue_indirect_dma source(%dma_start3A_600 : memref<1000000x64xf32, #tpu.memory_space<hbm>>) target(%arg13 : memref<200x64xf32, #tpu.memory_space<vmem>>) offsets(%dma_start3A_597 : memref<200xi32, #tpu.memory_space<vmem>>) semaphore(%arg21 : memref<!tpu.dma_semaphore, #tpu.memory_space<semaphore_mem>>)
      %scan3A_601 = arith.constant 0 : i32
      scf.yield %scan3A_601 : i32
    }
    %scan3A_63 = arith.constant 15 : i32
    %dma_wait3A = arith.constant 120 : i32
    %dma_wait3A_64 = arith.constant 0 : i32
    %dma_wait3A_65 = tpu.memref_slice %arg5[%dma_wait3A, %dma_wait3A_64] : memref<128x200xi32, #tpu.memory_space<vmem>> -> memref<1x200xi32, #tpu.memory_space<vmem>>
    %dma_wait3A_66 = tpu.memref_squeeze %dma_wait3A_65 : memref<1x200xi32, #tpu.memory_space<vmem>> -> memref<200xi32, #tpu.memory_space<vmem>>
    %dma_wait3A_67 = arith.constant 0 : i32
    %dma_wait3A_68 = arith.constant 0 : i32
    %dma_wait3A_69 = tpu.memref_slice %arg3[%dma_wait3A_67, %dma_wait3A_68] : memref<1000000x64xf32, #tpu.memory_space<hbm>> -> memref<1000000x64xf32, #tpu.memory_space<hbm>>
    tpu.wait_indirect_dma semaphore(%arg14 : memref<!tpu.dma_semaphore, #tpu.memory_space<semaphore_mem>>) src(%dma_wait3A_69 : memref<1000000x64xf32, #tpu.memory_space<hbm>>) dst(%arg6 : memref<200x64xf32, #tpu.memory_space<vmem>>)
    %add3A_70 = arith.constant 120 : i32
    %add3A_71 = arith.addi %mul3A_2, %add3A_70 : i32
    %dma_start3A_72 = arith.constant 0 : i32
    %dma_start3A_73 = arith.constant 0 : i32
    %dma_start3A_74 = tpu.memref_slice %arg4[%add3A_71, %dma_start3A_72, %dma_start3A_73] : memref<4096x200x128xf32, #tpu.memory_space<hbm>> -> memref<1x200x64xf32, #tpu.memory_space<hbm>>
    %dma_start3A_75 = tpu.memref_squeeze %dma_start3A_74 : memref<1x200x64xf32, #tpu.memory_space<hbm>> -> memref<200x64xf32, #tpu.memory_space<hbm>>
    %dma_start3A_76 = arith.constant 0 : i32
    %dma_start3A_77 = arith.constant 0 : i32
    %dma_start3A_78 = tpu.memref_slice %arg4[%add3A_71, %dma_start3A_76, %dma_start3A_77] : memref<4096x200x128xf32, #tpu.memory_space<hbm>> -> memref<1x200x64xf32, #tpu.memory_space<hbm>>
    %dma_start3A_79 = tpu.memref_squeeze %dma_start3A_78 : memref<1x200x64xf32, #tpu.memory_space<hbm>> -> memref<200x64xf32, #tpu.memory_space<hbm>>
    tpu.enqueue_dma source(%arg6 : memref<200x64xf32, #tpu.memory_space<vmem>>) target(%dma_start3A_79 : memref<200x64xf32, #tpu.memory_space<hbm>>) target_semaphore(%arg22 : memref<!tpu.dma_semaphore, #tpu.memory_space<semaphore_mem>>)
    %dma_wait3A_80 = arith.constant 121 : i32
    %dma_wait3A_81 = arith.constant 0 : i32
    %dma_wait3A_82 = tpu.memref_slice %arg5[%dma_wait3A_80, %dma_wait3A_81] : memref<128x200xi32, #tpu.memory_space<vmem>> -> memref<1x200xi32, #tpu.memory_space<vmem>>
    %dma_wait3A_83 = tpu.memref_squeeze %dma_wait3A_82 : memref<1x200xi32, #tpu.memory_space<vmem>> -> memref<200xi32, #tpu.memory_space<vmem>>
    %dma_wait3A_84 = arith.constant 0 : i32
    %dma_wait3A_85 = arith.constant 0 : i32
    %dma_wait3A_86 = tpu.memref_slice %arg3[%dma_wait3A_84, %dma_wait3A_85] : memref<1000000x64xf32, #tpu.memory_space<hbm>> -> memref<1000000x64xf32, #tpu.memory_space<hbm>>
    tpu.wait_indirect_dma semaphore(%arg15 : memref<!tpu.dma_semaphore, #tpu.memory_space<semaphore_mem>>) src(%dma_wait3A_86 : memref<1000000x64xf32, #tpu.memory_space<hbm>>) dst(%arg7 : memref<200x64xf32, #tpu.memory_space<vmem>>)
    %add3A_87 = arith.constant 121 : i32
    %add3A_88 = arith.addi %mul3A_2, %add3A_87 : i32
    %dma_start3A_89 = arith.constant 0 : i32
    %dma_start3A_90 = arith.constant 0 : i32
    %dma_start3A_91 = tpu.memref_slice %arg4[%add3A_88, %dma_start3A_89, %dma_start3A_90] : memref<4096x200x128xf32, #tpu.memory_space<hbm>> -> memref<1x200x64xf32, #tpu.memory_space<hbm>>
    %dma_start3A_92 = tpu.memref_squeeze %dma_start3A_91 : memref<1x200x64xf32, #tpu.memory_space<hbm>> -> memref<200x64xf32, #tpu.memory_space<hbm>>
    %dma_start3A_93 = arith.constant 0 : i32
    %dma_start3A_94 = arith.constant 0 : i32
    %dma_start3A_95 = tpu.memref_slice %arg4[%add3A_88, %dma_start3A_93, %dma_start3A_94] : memref<4096x200x128xf32, #tpu.memory_space<hbm>> -> memref<1x200x64xf32, #tpu.memory_space<hbm>>
    %dma_start3A_96 = tpu.memref_squeeze %dma_start3A_95 : memref<1x200x64xf32, #tpu.memory_space<hbm>> -> memref<200x64xf32, #tpu.memory_space<hbm>>
    tpu.enqueue_dma source(%arg7 : memref<200x64xf32, #tpu.memory_space<vmem>>) target(%dma_start3A_96 : memref<200x64xf32, #tpu.memory_space<hbm>>) target_semaphore(%arg23 : memref<!tpu.dma_semaphore, #tpu.memory_space<semaphore_mem>>)
    %dma_wait3A_97 = arith.constant 122 : i32
    %dma_wait3A_98 = arith.constant 0 : i32
    %dma_wait3A_99 = tpu.memref_slice %arg5[%dma_wait3A_97, %dma_wait3A_98] : memref<128x200xi32, #tpu.memory_space<vmem>> -> memref<1x200xi32, #tpu.memory_space<vmem>>
    %dma_wait3A_100 = tpu.memref_squeeze %dma_wait3A_99 : memref<1x200xi32, #tpu.memory_space<vmem>> -> memref<200xi32, #tpu.memory_space<vmem>>
    %dma_wait3A_101 = arith.constant 0 : i32
    %dma_wait3A_102 = arith.constant 0 : i32
    %dma_wait3A_103 = tpu.memref_slice %arg3[%dma_wait3A_101, %dma_wait3A_102] : memref<1000000x64xf32, #tpu.memory_space<hbm>> -> memref<1000000x64xf32, #tpu.memory_space<hbm>>
    tpu.wait_indirect_dma semaphore(%arg16 : memref<!tpu.dma_semaphore, #tpu.memory_space<semaphore_mem>>) src(%dma_wait3A_103 : memref<1000000x64xf32, #tpu.memory_space<hbm>>) dst(%arg8 : memref<200x64xf32, #tpu.memory_space<vmem>>)
    %add3A_104 = arith.constant 122 : i32
    %add3A_105 = arith.addi %mul3A_2, %add3A_104 : i32
    %dma_start3A_106 = arith.constant 0 : i32
    %dma_start3A_107 = arith.constant 0 : i32
    %dma_start3A_108 = tpu.memref_slice %arg4[%add3A_105, %dma_start3A_106, %dma_start3A_107] : memref<4096x200x128xf32, #tpu.memory_space<hbm>> -> memref<1x200x64xf32, #tpu.memory_space<hbm>>
    %dma_start3A_109 = tpu.memref_squeeze %dma_start3A_108 : memref<1x200x64xf32, #tpu.memory_space<hbm>> -> memref<200x64xf32, #tpu.memory_space<hbm>>
    %dma_start3A_110 = arith.constant 0 : i32
    %dma_start3A_111 = arith.constant 0 : i32
    %dma_start3A_112 = tpu.memref_slice %arg4[%add3A_105, %dma_start3A_110, %dma_start3A_111] : memref<4096x200x128xf32, #tpu.memory_space<hbm>> -> memref<1x200x64xf32, #tpu.memory_space<hbm>>
    %dma_start3A_113 = tpu.memref_squeeze %dma_start3A_112 : memref<1x200x64xf32, #tpu.memory_space<hbm>> -> memref<200x64xf32, #tpu.memory_space<hbm>>
    tpu.enqueue_dma source(%arg8 : memref<200x64xf32, #tpu.memory_space<vmem>>) target(%dma_start3A_113 : memref<200x64xf32, #tpu.memory_space<hbm>>) target_semaphore(%arg24 : memref<!tpu.dma_semaphore, #tpu.memory_space<semaphore_mem>>)
    %dma_wait3A_114 = arith.constant 123 : i32
    %dma_wait3A_115 = arith.constant 0 : i32
    %dma_wait3A_116 = tpu.memref_slice %arg5[%dma_wait3A_114, %dma_wait3A_115] : memref<128x200xi32, #tpu.memory_space<vmem>> -> memref<1x200xi32, #tpu.memory_space<vmem>>
    %dma_wait3A_117 = tpu.memref_squeeze %dma_wait3A_116 : memref<1x200xi32, #tpu.memory_space<vmem>> -> memref<200xi32, #tpu.memory_space<vmem>>
    %dma_wait3A_118 = arith.constant 0 : i32
    %dma_wait3A_119 = arith.constant 0 : i32
    %dma_wait3A_120 = tpu.memref_slice %arg3[%dma_wait3A_118, %dma_wait3A_119] : memref<1000000x64xf32, #tpu.memory_space<hbm>> -> memref<1000000x64xf32, #tpu.memory_space<hbm>>
    tpu.wait_indirect_dma semaphore(%arg17 : memref<!tpu.dma_semaphore, #tpu.memory_space<semaphore_mem>>) src(%dma_wait3A_120 : memref<1000000x64xf32, #tpu.memory_space<hbm>>) dst(%arg9 : memref<200x64xf32, #tpu.memory_space<vmem>>)
    %add3A_121 = arith.constant 123 : i32
    %add3A_122 = arith.addi %mul3A_2, %add3A_121 : i32
    %dma_start3A_123 = arith.constant 0 : i32
    %dma_start3A_124 = arith.constant 0 : i32
    %dma_start3A_125 = tpu.memref_slice %arg4[%add3A_122, %dma_start3A_123, %dma_start3A_124] : memref<4096x200x128xf32, #tpu.memory_space<hbm>> -> memref<1x200x64xf32, #tpu.memory_space<hbm>>
    %dma_start3A_126 = tpu.memref_squeeze %dma_start3A_125 : memref<1x200x64xf32, #tpu.memory_space<hbm>> -> memref<200x64xf32, #tpu.memory_space<hbm>>
    %dma_start3A_127 = arith.constant 0 : i32
    %dma_start3A_128 = arith.constant 0 : i32
    %dma_start3A_129 = tpu.memref_slice %arg4[%add3A_122, %dma_start3A_127, %dma_start3A_128] : memref<4096x200x128xf32, #tpu.memory_space<hbm>> -> memref<1x200x64xf32, #tpu.memory_space<hbm>>
    %dma_start3A_130 = tpu.memref_squeeze %dma_start3A_129 : memref<1x200x64xf32, #tpu.memory_space<hbm>> -> memref<200x64xf32, #tpu.memory_space<hbm>>
    tpu.enqueue_dma source(%arg9 : memref<200x64xf32, #tpu.memory_space<vmem>>) target(%dma_start3A_130 : memref<200x64xf32, #tpu.memory_space<hbm>>) target_semaphore(%arg25 : memref<!tpu.dma_semaphore, #tpu.memory_space<semaphore_mem>>)
    %dma_wait3A_131 = arith.constant 124 : i32
    %dma_wait3A_132 = arith.constant 0 : i32
    %dma_wait3A_133 = tpu.memref_slice %arg5[%dma_wait3A_131, %dma_wait3A_132] : memref<128x200xi32, #tpu.memory_space<vmem>> -> memref<1x200xi32, #tpu.memory_space<vmem>>
    %dma_wait3A_134 = tpu.memref_squeeze %dma_wait3A_133 : memref<1x200xi32, #tpu.memory_space<vmem>> -> memref<200xi32, #tpu.memory_space<vmem>>
    %dma_wait3A_135 = arith.constant 0 : i32
    %dma_wait3A_136 = arith.constant 0 : i32
    %dma_wait3A_137 = tpu.memref_slice %arg3[%dma_wait3A_135, %dma_wait3A_136] : memref<1000000x64xf32, #tpu.memory_space<hbm>> -> memref<1000000x64xf32, #tpu.memory_space<hbm>>
    tpu.wait_indirect_dma semaphore(%arg18 : memref<!tpu.dma_semaphore, #tpu.memory_space<semaphore_mem>>) src(%dma_wait3A_137 : memref<1000000x64xf32, #tpu.memory_space<hbm>>) dst(%arg10 : memref<200x64xf32, #tpu.memory_space<vmem>>)
    %add3A_138 = arith.constant 124 : i32
    %add3A_139 = arith.addi %mul3A_2, %add3A_138 : i32
    %dma_start3A_140 = arith.constant 0 : i32
    %dma_start3A_141 = arith.constant 0 : i32
    %dma_start3A_142 = tpu.memref_slice %arg4[%add3A_139, %dma_start3A_140, %dma_start3A_141] : memref<4096x200x128xf32, #tpu.memory_space<hbm>> -> memref<1x200x64xf32, #tpu.memory_space<hbm>>
    %dma_start3A_143 = tpu.memref_squeeze %dma_start3A_142 : memref<1x200x64xf32, #tpu.memory_space<hbm>> -> memref<200x64xf32, #tpu.memory_space<hbm>>
    %dma_start3A_144 = arith.constant 0 : i32
    %dma_start3A_145 = arith.constant 0 : i32
    %dma_start3A_146 = tpu.memref_slice %arg4[%add3A_139, %dma_start3A_144, %dma_start3A_145] : memref<4096x200x128xf32, #tpu.memory_space<hbm>> -> memref<1x200x64xf32, #tpu.memory_space<hbm>>
    %dma_start3A_147 = tpu.memref_squeeze %dma_start3A_146 : memref<1x200x64xf32, #tpu.memory_space<hbm>> -> memref<200x64xf32, #tpu.memory_space<hbm>>
    tpu.enqueue_dma source(%arg10 : memref<200x64xf32, #tpu.memory_space<vmem>>) target(%dma_start3A_147 : memref<200x64xf32, #tpu.memory_space<hbm>>) target_semaphore(%arg26 : memref<!tpu.dma_semaphore, #tpu.memory_space<semaphore_mem>>)
    %dma_wait3A_148 = arith.constant 125 : i32
    %dma_wait3A_149 = arith.constant 0 : i32
    %dma_wait3A_150 = tpu.memref_slice %arg5[%dma_wait3A_148, %dma_wait3A_149] : memref<128x200xi32, #tpu.memory_space<vmem>> -> memref<1x200xi32, #tpu.memory_space<vmem>>
    %dma_wait3A_151 = tpu.memref_squeeze %dma_wait3A_150 : memref<1x200xi32, #tpu.memory_space<vmem>> -> memref<200xi32, #tpu.memory_space<vmem>>
    %dma_wait3A_152 = arith.constant 0 : i32
    %dma_wait3A_153 = arith.constant 0 : i32
    %dma_wait3A_154 = tpu.memref_slice %arg3[%dma_wait3A_152, %dma_wait3A_153] : memref<1000000x64xf32, #tpu.memory_space<hbm>> -> memref<1000000x64xf32, #tpu.memory_space<hbm>>
    tpu.wait_indirect_dma semaphore(%arg19 : memref<!tpu.dma_semaphore, #tpu.memory_space<semaphore_mem>>) src(%dma_wait3A_154 : memref<1000000x64xf32, #tpu.memory_space<hbm>>) dst(%arg11 : memref<200x64xf32, #tpu.memory_space<vmem>>)
    %add3A_155 = arith.constant 125 : i32
    %add3A_156 = arith.addi %mul3A_2, %add3A_155 : i32
    %dma_start3A_157 = arith.constant 0 : i32
    %dma_start3A_158 = arith.constant 0 : i32
    %dma_start3A_159 = tpu.memref_slice %arg4[%add3A_156, %dma_start3A_157, %dma_start3A_158] : memref<4096x200x128xf32, #tpu.memory_space<hbm>> -> memref<1x200x64xf32, #tpu.memory_space<hbm>>
    %dma_start3A_160 = tpu.memref_squeeze %dma_start3A_159 : memref<1x200x64xf32, #tpu.memory_space<hbm>> -> memref<200x64xf32, #tpu.memory_space<hbm>>
    %dma_start3A_161 = arith.constant 0 : i32
    %dma_start3A_162 = arith.constant 0 : i32
    %dma_start3A_163 = tpu.memref_slice %arg4[%add3A_156, %dma_start3A_161, %dma_start3A_162] : memref<4096x200x128xf32, #tpu.memory_space<hbm>> -> memref<1x200x64xf32, #tpu.memory_space<hbm>>
    %dma_start3A_164 = tpu.memref_squeeze %dma_start3A_163 : memref<1x200x64xf32, #tpu.memory_space<hbm>> -> memref<200x64xf32, #tpu.memory_space<hbm>>
    tpu.enqueue_dma source(%arg11 : memref<200x64xf32, #tpu.memory_space<vmem>>) target(%dma_start3A_164 : memref<200x64xf32, #tpu.memory_space<hbm>>) target_semaphore(%arg27 : memref<!tpu.dma_semaphore, #tpu.memory_space<semaphore_mem>>)
    %dma_wait3A_165 = arith.constant 126 : i32
    %dma_wait3A_166 = arith.constant 0 : i32
    %dma_wait3A_167 = tpu.memref_slice %arg5[%dma_wait3A_165, %dma_wait3A_166] : memref<128x200xi32, #tpu.memory_space<vmem>> -> memref<1x200xi32, #tpu.memory_space<vmem>>
    %dma_wait3A_168 = tpu.memref_squeeze %dma_wait3A_167 : memref<1x200xi32, #tpu.memory_space<vmem>> -> memref<200xi32, #tpu.memory_space<vmem>>
    %dma_wait3A_169 = arith.constant 0 : i32
    %dma_wait3A_170 = arith.constant 0 : i32
    %dma_wait3A_171 = tpu.memref_slice %arg3[%dma_wait3A_169, %dma_wait3A_170] : memref<1000000x64xf32, #tpu.memory_space<hbm>> -> memref<1000000x64xf32, #tpu.memory_space<hbm>>
    tpu.wait_indirect_dma semaphore(%arg20 : memref<!tpu.dma_semaphore, #tpu.memory_space<semaphore_mem>>) src(%dma_wait3A_171 : memref<1000000x64xf32, #tpu.memory_space<hbm>>) dst(%arg12 : memref<200x64xf32, #tpu.memory_space<vmem>>)
    %add3A_172 = arith.constant 126 : i32
    %add3A_173 = arith.addi %mul3A_2, %add3A_172 : i32
    %dma_start3A_174 = arith.constant 0 : i32
    %dma_start3A_175 = arith.constant 0 : i32
    %dma_start3A_176 = tpu.memref_slice %arg4[%add3A_173, %dma_start3A_174, %dma_start3A_175] : memref<4096x200x128xf32, #tpu.memory_space<hbm>> -> memref<1x200x64xf32, #tpu.memory_space<hbm>>
    %dma_start3A_177 = tpu.memref_squeeze %dma_start3A_176 : memref<1x200x64xf32, #tpu.memory_space<hbm>> -> memref<200x64xf32, #tpu.memory_space<hbm>>
    %dma_start3A_178 = arith.constant 0 : i32
    %dma_start3A_179 = arith.constant 0 : i32
    %dma_start3A_180 = tpu.memref_slice %arg4[%add3A_173, %dma_start3A_178, %dma_start3A_179] : memref<4096x200x128xf32, #tpu.memory_space<hbm>> -> memref<1x200x64xf32, #tpu.memory_space<hbm>>
    %dma_start3A_181 = tpu.memref_squeeze %dma_start3A_180 : memref<1x200x64xf32, #tpu.memory_space<hbm>> -> memref<200x64xf32, #tpu.memory_space<hbm>>
    tpu.enqueue_dma source(%arg12 : memref<200x64xf32, #tpu.memory_space<vmem>>) target(%dma_start3A_181 : memref<200x64xf32, #tpu.memory_space<hbm>>) target_semaphore(%arg28 : memref<!tpu.dma_semaphore, #tpu.memory_space<semaphore_mem>>)
    %dma_wait3A_182 = arith.constant 127 : i32
    %dma_wait3A_183 = arith.constant 0 : i32
    %dma_wait3A_184 = tpu.memref_slice %arg5[%dma_wait3A_182, %dma_wait3A_183] : memref<128x200xi32, #tpu.memory_space<vmem>> -> memref<1x200xi32, #tpu.memory_space<vmem>>
    %dma_wait3A_185 = tpu.memref_squeeze %dma_wait3A_184 : memref<1x200xi32, #tpu.memory_space<vmem>> -> memref<200xi32, #tpu.memory_space<vmem>>
    %dma_wait3A_186 = arith.constant 0 : i32
    %dma_wait3A_187 = arith.constant 0 : i32
    %dma_wait3A_188 = tpu.memref_slice %arg3[%dma_wait3A_186, %dma_wait3A_187] : memref<1000000x64xf32, #tpu.memory_space<hbm>> -> memref<1000000x64xf32, #tpu.memory_space<hbm>>
    tpu.wait_indirect_dma semaphore(%arg21 : memref<!tpu.dma_semaphore, #tpu.memory_space<semaphore_mem>>) src(%dma_wait3A_188 : memref<1000000x64xf32, #tpu.memory_space<hbm>>) dst(%arg13 : memref<200x64xf32, #tpu.memory_space<vmem>>)
    %add3A_189 = arith.constant 127 : i32
    %add3A_190 = arith.addi %mul3A_2, %add3A_189 : i32
    %dma_start3A_191 = arith.constant 0 : i32
    %dma_start3A_192 = arith.constant 0 : i32
    %dma_start3A_193 = tpu.memref_slice %arg4[%add3A_190, %dma_start3A_191, %dma_start3A_192] : memref<4096x200x128xf32, #tpu.memory_space<hbm>> -> memref<1x200x64xf32, #tpu.memory_space<hbm>>
    %dma_start3A_194 = tpu.memref_squeeze %dma_start3A_193 : memref<1x200x64xf32, #tpu.memory_space<hbm>> -> memref<200x64xf32, #tpu.memory_space<hbm>>
    %dma_start3A_195 = arith.constant 0 : i32
    %dma_start3A_196 = arith.constant 0 : i32
    %dma_start3A_197 = tpu.memref_slice %arg4[%add3A_190, %dma_start3A_195, %dma_start3A_196] : memref<4096x200x128xf32, #tpu.memory_space<hbm>> -> memref<1x200x64xf32, #tpu.memory_space<hbm>>
    %dma_start3A_198 = tpu.memref_squeeze %dma_start3A_197 : memref<1x200x64xf32, #tpu.memory_space<hbm>> -> memref<200x64xf32, #tpu.memory_space<hbm>>
    tpu.enqueue_dma source(%arg13 : memref<200x64xf32, #tpu.memory_space<vmem>>) target(%dma_start3A_198 : memref<200x64xf32, #tpu.memory_space<hbm>>) target_semaphore(%arg29 : memref<!tpu.dma_semaphore, #tpu.memory_space<semaphore_mem>>)
    %add3A_199 = arith.constant 120 : i32
    %add3A_200 = arith.addi %mul3A_2, %add3A_199 : i32
    %dma_wait3A_201 = arith.constant 0 : i32
    %dma_wait3A_202 = arith.constant 0 : i32
    %dma_wait3A_203 = tpu.memref_slice %arg4[%add3A_200, %dma_wait3A_201, %dma_wait3A_202] : memref<4096x200x128xf32, #tpu.memory_space<hbm>> -> memref<1x200x64xf32, #tpu.memory_space<hbm>>
    %dma_wait3A_204 = tpu.memref_squeeze %dma_wait3A_203 : memref<1x200x64xf32, #tpu.memory_space<hbm>> -> memref<200x64xf32, #tpu.memory_space<hbm>>
    %dma_wait3A_205 = arith.constant 0 : i32
    %dma_wait3A_206 = arith.constant 0 : i32
    %dma_wait3A_207 = tpu.memref_slice %arg4[%add3A_200, %dma_wait3A_205, %dma_wait3A_206] : memref<4096x200x128xf32, #tpu.memory_space<hbm>> -> memref<1x200x64xf32, #tpu.memory_space<hbm>>
    %dma_wait3A_208 = tpu.memref_squeeze %dma_wait3A_207 : memref<1x200x64xf32, #tpu.memory_space<hbm>> -> memref<200x64xf32, #tpu.memory_space<hbm>>
    tpu.wait_dma2 semaphore(%arg22 : memref<!tpu.dma_semaphore, #tpu.memory_space<semaphore_mem>>) src(%arg6 : memref<200x64xf32, #tpu.memory_space<vmem>>) dst(%dma_wait3A_208 : memref<200x64xf32, #tpu.memory_space<hbm>>)
    %add3A_209 = arith.constant 121 : i32
    %add3A_210 = arith.addi %mul3A_2, %add3A_209 : i32
    %dma_wait3A_211 = arith.constant 0 : i32
    %dma_wait3A_212 = arith.constant 0 : i32
    %dma_wait3A_213 = tpu.memref_slice %arg4[%add3A_210, %dma_wait3A_211, %dma_wait3A_212] : memref<4096x200x128xf32, #tpu.memory_space<hbm>> -> memref<1x200x64xf32, #tpu.memory_space<hbm>>
    %dma_wait3A_214 = tpu.memref_squeeze %dma_wait3A_213 : memref<1x200x64xf32, #tpu.memory_space<hbm>> -> memref<200x64xf32, #tpu.memory_space<hbm>>
    %dma_wait3A_215 = arith.constant 0 : i32
    %dma_wait3A_216 = arith.constant 0 : i32
    %dma_wait3A_217 = tpu.memref_slice %arg4[%add3A_210, %dma_wait3A_215, %dma_wait3A_216] : memref<4096x200x128xf32, #tpu.memory_space<hbm>> -> memref<1x200x64xf32, #tpu.memory_space<hbm>>
    %dma_wait3A_218 = tpu.memref_squeeze %dma_wait3A_217 : memref<1x200x64xf32, #tpu.memory_space<hbm>> -> memref<200x64xf32, #tpu.memory_space<hbm>>
    tpu.wait_dma2 semaphore(%arg23 : memref<!tpu.dma_semaphore, #tpu.memory_space<semaphore_mem>>) src(%arg7 : memref<200x64xf32, #tpu.memory_space<vmem>>) dst(%dma_wait3A_218 : memref<200x64xf32, #tpu.memory_space<hbm>>)
    %add3A_219 = arith.constant 122 : i32
    %add3A_220 = arith.addi %mul3A_2, %add3A_219 : i32
    %dma_wait3A_221 = arith.constant 0 : i32
    %dma_wait3A_222 = arith.constant 0 : i32
    %dma_wait3A_223 = tpu.memref_slice %arg4[%add3A_220, %dma_wait3A_221, %dma_wait3A_222] : memref<4096x200x128xf32, #tpu.memory_space<hbm>> -> memref<1x200x64xf32, #tpu.memory_space<hbm>>
    %dma_wait3A_224 = tpu.memref_squeeze %dma_wait3A_223 : memref<1x200x64xf32, #tpu.memory_space<hbm>> -> memref<200x64xf32, #tpu.memory_space<hbm>>
    %dma_wait3A_225 = arith.constant 0 : i32
    %dma_wait3A_226 = arith.constant 0 : i32
    %dma_wait3A_227 = tpu.memref_slice %arg4[%add3A_220, %dma_wait3A_225, %dma_wait3A_226] : memref<4096x200x128xf32, #tpu.memory_space<hbm>> -> memref<1x200x64xf32, #tpu.memory_space<hbm>>
    %dma_wait3A_228 = tpu.memref_squeeze %dma_wait3A_227 : memref<1x200x64xf32, #tpu.memory_space<hbm>> -> memref<200x64xf32, #tpu.memory_space<hbm>>
    tpu.wait_dma2 semaphore(%arg24 : memref<!tpu.dma_semaphore, #tpu.memory_space<semaphore_mem>>) src(%arg8 : memref<200x64xf32, #tpu.memory_space<vmem>>) dst(%dma_wait3A_228 : memref<200x64xf32, #tpu.memory_space<hbm>>)
    %add3A_229 = arith.constant 123 : i32
    %add3A_230 = arith.addi %mul3A_2, %add3A_229 : i32
    %dma_wait3A_231 = arith.constant 0 : i32
    %dma_wait3A_232 = arith.constant 0 : i32
    %dma_wait3A_233 = tpu.memref_slice %arg4[%add3A_230, %dma_wait3A_231, %dma_wait3A_232] : memref<4096x200x128xf32, #tpu.memory_space<hbm>> -> memref<1x200x64xf32, #tpu.memory_space<hbm>>
    %dma_wait3A_234 = tpu.memref_squeeze %dma_wait3A_233 : memref<1x200x64xf32, #tpu.memory_space<hbm>> -> memref<200x64xf32, #tpu.memory_space<hbm>>
    %dma_wait3A_235 = arith.constant 0 : i32
    %dma_wait3A_236 = arith.constant 0 : i32
    %dma_wait3A_237 = tpu.memref_slice %arg4[%add3A_230, %dma_wait3A_235, %dma_wait3A_236] : memref<4096x200x128xf32, #tpu.memory_space<hbm>> -> memref<1x200x64xf32, #tpu.memory_space<hbm>>
    %dma_wait3A_238 = tpu.memref_squeeze %dma_wait3A_237 : memref<1x200x64xf32, #tpu.memory_space<hbm>> -> memref<200x64xf32, #tpu.memory_space<hbm>>
    tpu.wait_dma2 semaphore(%arg25 : memref<!tpu.dma_semaphore, #tpu.memory_space<semaphore_mem>>) src(%arg9 : memref<200x64xf32, #tpu.memory_space<vmem>>) dst(%dma_wait3A_238 : memref<200x64xf32, #tpu.memory_space<hbm>>)
    %add3A_239 = arith.constant 124 : i32
    %add3A_240 = arith.addi %mul3A_2, %add3A_239 : i32
    %dma_wait3A_241 = arith.constant 0 : i32
    %dma_wait3A_242 = arith.constant 0 : i32
    %dma_wait3A_243 = tpu.memref_slice %arg4[%add3A_240, %dma_wait3A_241, %dma_wait3A_242] : memref<4096x200x128xf32, #tpu.memory_space<hbm>> -> memref<1x200x64xf32, #tpu.memory_space<hbm>>
    %dma_wait3A_244 = tpu.memref_squeeze %dma_wait3A_243 : memref<1x200x64xf32, #tpu.memory_space<hbm>> -> memref<200x64xf32, #tpu.memory_space<hbm>>
    %dma_wait3A_245 = arith.constant 0 : i32
    %dma_wait3A_246 = arith.constant 0 : i32
    %dma_wait3A_247 = tpu.memref_slice %arg4[%add3A_240, %dma_wait3A_245, %dma_wait3A_246] : memref<4096x200x128xf32, #tpu.memory_space<hbm>> -> memref<1x200x64xf32, #tpu.memory_space<hbm>>
    %dma_wait3A_248 = tpu.memref_squeeze %dma_wait3A_247 : memref<1x200x64xf32, #tpu.memory_space<hbm>> -> memref<200x64xf32, #tpu.memory_space<hbm>>
    tpu.wait_dma2 semaphore(%arg26 : memref<!tpu.dma_semaphore, #tpu.memory_space<semaphore_mem>>) src(%arg10 : memref<200x64xf32, #tpu.memory_space<vmem>>) dst(%dma_wait3A_248 : memref<200x64xf32, #tpu.memory_space<hbm>>)
    %add3A_249 = arith.constant 125 : i32
    %add3A_250 = arith.addi %mul3A_2, %add3A_249 : i32
    %dma_wait3A_251 = arith.constant 0 : i32
    %dma_wait3A_252 = arith.constant 0 : i32
    %dma_wait3A_253 = tpu.memref_slice %arg4[%add3A_250, %dma_wait3A_251, %dma_wait3A_252] : memref<4096x200x128xf32, #tpu.memory_space<hbm>> -> memref<1x200x64xf32, #tpu.memory_space<hbm>>
    %dma_wait3A_254 = tpu.memref_squeeze %dma_wait3A_253 : memref<1x200x64xf32, #tpu.memory_space<hbm>> -> memref<200x64xf32, #tpu.memory_space<hbm>>
    %dma_wait3A_255 = arith.constant 0 : i32
    %dma_wait3A_256 = arith.constant 0 : i32
    %dma_wait3A_257 = tpu.memref_slice %arg4[%add3A_250, %dma_wait3A_255, %dma_wait3A_256] : memref<4096x200x128xf32, #tpu.memory_space<hbm>> -> memref<1x200x64xf32, #tpu.memory_space<hbm>>
    %dma_wait3A_258 = tpu.memref_squeeze %dma_wait3A_257 : memref<1x200x64xf32, #tpu.memory_space<hbm>> -> memref<200x64xf32, #tpu.memory_space<hbm>>
    tpu.wait_dma2 semaphore(%arg27 : memref<!tpu.dma_semaphore, #tpu.memory_space<semaphore_mem>>) src(%arg11 : memref<200x64xf32, #tpu.memory_space<vmem>>) dst(%dma_wait3A_258 : memref<200x64xf32, #tpu.memory_space<hbm>>)
    %add3A_259 = arith.constant 126 : i32
    %add3A_260 = arith.addi %mul3A_2, %add3A_259 : i32
    %dma_wait3A_261 = arith.constant 0 : i32
    %dma_wait3A_262 = arith.constant 0 : i32
    %dma_wait3A_263 = tpu.memref_slice %arg4[%add3A_260, %dma_wait3A_261, %dma_wait3A_262] : memref<4096x200x128xf32, #tpu.memory_space<hbm>> -> memref<1x200x64xf32, #tpu.memory_space<hbm>>
    %dma_wait3A_264 = tpu.memref_squeeze %dma_wait3A_263 : memref<1x200x64xf32, #tpu.memory_space<hbm>> -> memref<200x64xf32, #tpu.memory_space<hbm>>
    %dma_wait3A_265 = arith.constant 0 : i32
    %dma_wait3A_266 = arith.constant 0 : i32
    %dma_wait3A_267 = tpu.memref_slice %arg4[%add3A_260, %dma_wait3A_265, %dma_wait3A_266] : memref<4096x200x128xf32, #tpu.memory_space<hbm>> -> memref<1x200x64xf32, #tpu.memory_space<hbm>>
    %dma_wait3A_268 = tpu.memref_squeeze %dma_wait3A_267 : memref<1x200x64xf32, #tpu.memory_space<hbm>> -> memref<200x64xf32, #tpu.memory_space<hbm>>
    tpu.wait_dma2 semaphore(%arg28 : memref<!tpu.dma_semaphore, #tpu.memory_space<semaphore_mem>>) src(%arg12 : memref<200x64xf32, #tpu.memory_space<vmem>>) dst(%dma_wait3A_268 : memref<200x64xf32, #tpu.memory_space<hbm>>)
    %add3A_269 = arith.constant 127 : i32
    %add3A_270 = arith.addi %mul3A_2, %add3A_269 : i32
    %dma_wait3A_271 = arith.constant 0 : i32
    %dma_wait3A_272 = arith.constant 0 : i32
    %dma_wait3A_273 = tpu.memref_slice %arg4[%add3A_270, %dma_wait3A_271, %dma_wait3A_272] : memref<4096x200x128xf32, #tpu.memory_space<hbm>> -> memref<1x200x64xf32, #tpu.memory_space<hbm>>
    %dma_wait3A_274 = tpu.memref_squeeze %dma_wait3A_273 : memref<1x200x64xf32, #tpu.memory_space<hbm>> -> memref<200x64xf32, #tpu.memory_space<hbm>>
    %dma_wait3A_275 = arith.constant 0 : i32
    %dma_wait3A_276 = arith.constant 0 : i32
    %dma_wait3A_277 = tpu.memref_slice %arg4[%add3A_270, %dma_wait3A_275, %dma_wait3A_276] : memref<4096x200x128xf32, #tpu.memory_space<hbm>> -> memref<1x200x64xf32, #tpu.memory_space<hbm>>
    %dma_wait3A_278 = tpu.memref_squeeze %dma_wait3A_277 : memref<1x200x64xf32, #tpu.memory_space<hbm>> -> memref<200x64xf32, #tpu.memory_space<hbm>>
    tpu.wait_dma2 semaphore(%arg29 : memref<!tpu.dma_semaphore, #tpu.memory_space<semaphore_mem>>) src(%arg13 : memref<200x64xf32, #tpu.memory_space<vmem>>) dst(%dma_wait3A_278 : memref<200x64xf32, #tpu.memory_space<hbm>>)
    return
  }
}

</mosaic_0001>

<sc_bundles>
// kernel: kernel.3.cloned.1.call-start
scs
__scs_entry_jumppad:
0x0: {  	(pc) =	sbr.rel $0x88, $3  }
0x1: {  	(tag) =	ssettag $0x0;
	lr =	simm.s32 $0x1  }
0x2: {  	[smem:$0x3F9F] =	sst lr;
	_ =	strace $0xD0000000  }
0x3: {  	_ = 	snop  }
0x4: {  	_ = 	snop  }
0x5: {  	_ = 	snop  }
0x6: {  	_ = 	snop  }
0x7: {  	_ = 	snop  }
__scs_overlays_trampoline_lowered:
0x8: {  	[smem:$0x3FAE] =	sst s0  }
0x9: {  	[smem:$0x3FAF] =	sst s1  }
0xa: {  	[smem:$0x3FB0] =	sst s2  }
0xb: {  	[smem:$0x3FB1] =	sst s3  }
0xc: {  	[smem:$0x3FB2] =	sst s4  }
0xd: {  	[smem:$0x3FB3] =	sst s5  }
0xe: {  	[smem:$0x3FB4] =	sst s6  }
0xf: {  	[smem:$0x3FB5] =	sst s7  }
0x10: {  	[smem:$0x3FB6] =	sst s8  }
0x11: {  	[smem:$0x3FB7] =	sst s9;
	s0 =	simm.s32 @!p0 $0x0  }
0x12: {  	s1 =	sld [smem:$0x3F9D];
	s0 =	simm.s32 @p0 $0x1  }
0x13: {  	[smem:$0x3FB8] =	sst s0;
	s0 =	simm.s32 @!p1 $0x0  }
0x14: {  	s2 =	sld [smem:$0x3F9C];
	s0 =	simm.s32 @p1 $0x1  }
0x15: {  	[smem:$0x3FB9] =	sst s0;
	s0 =	simm.s32 @!p2 $0x0  }
0x16: {  	s3 =	sld [smem:$0x3FDB];
	s0 =	simm.s32 @p2 $0x1  }
0x17: {  	s4 =	simm.s32 $0x1BF5;
	[smem:$0x3FBB] =	sst s0  }
0x18: {  	s0 =	sld [smem:$0x3F9E];
	_ =	swait.ge [sflag:s4], $0x0  }
0x19: {  	s7 =	sld [smem:$0x3F9F]  }
0x1a: {  	s8 =	sadd.s32 $0xFFFFE003, lr  }
0x1b: {  	s9 =	sadd.s32 $0xFFFFFEF7, lr;
	s5 =	simm.s32 $0xFFFFFFFF;
	p2 =	slt.u32 s8, $0xFFFFF086  }
0x1c: {  	p1 =	slt.u32 s9, $0xF7A;
	s5 =	simm.s32 @!p2 $0x0  }
0x1d: {  	s5 =	simm.s32 @p1 $0x1;
	p0 =	seq.s32 s7, s2  }
0x1e: {  	s7 =	smul.u32 @!p0 $0xF7A, s2;
	p2 =	seq.s32 @!p0 s5, $0x0  }
0x1f: {  	s9 =	smul.u32 $0xF7A, s1;
	s8 =	simm.s32 @!p0 $0x1BF5;
	p2 =	por !p2, p0  }
0x20: {  	[sflag:s8] =	ssyncset.s32 @!p0 $0xFFFFF086;
	s6 =	sadd.s32 @!p0 s3, s7;
	s7 =	simm.s32 @!p0 $0x108  }
0x21: {  	s3 =	sadd.s32 s3, s9;
	s6 =	sadd.s32 @!p0 $0x88, s6;
	s7 =	simm.s32 @p2 $0x1082  }
0x22: {  	[simem:s7], [sflag:s8] =	dma.local @!p0 [hbm:s6], $0xF7A  }
0x23: {  	s9 =	sor.u32 $0xD0000000, s2;
	s6 =	simm.s32 $0x108;
	_ =	swait.ge @!p0 [sflag:s8], $0x0  }
0x24: {  	s3 =	sadd.s32 $0x88, s3;
	s6 =	simm.s32 @!p1 $0x1082;
	[sflag:s4] =	ssyncset.s32 $0xFFFFF086  }
0x25: {  	[simem:s6], [sflag:s4] =	dma.local [hbm:s3], $0xF7A  }
0x26: {  	[smem:$0x3F9F] =	sst s1;
	(tag) =	ssettag s2;
	_ =	strace s9  }
0x27: {  	s1 =	sld [smem:$0x3FAF]  }
0x28: {  	s2 =	sld [smem:$0x3FB0]  }
0x29: {  	s4 =	sld [smem:$0x3FB2]  }
0x2a: {  	p0 =	seq.s32 s5, $0x0;
	s5 =	sld [smem:$0x3FB3]  }
0x2b: {  	s6 =	sld [smem:$0x3FB4]  }
0x2c: {  	s7 =	sld [smem:$0x3FB5]  }
0x2d: {  	s3 =	simm.s32 $0x108;
	s8 =	sld [smem:$0x3FB6]  }
0x2e: {  	s3 =	simm.s32 @!p0 $0x1082;
	s9 =	sld [smem:$0x3FB7]  }
0x2f: {  	lr =	sadd.s32 s0, s3;
	s0 =	sld [smem:$0x3FAE]  }
0x30: {  	s3 =	sld [smem:$0x3FB1]  }
0x31: {  	[smem:$0x3FBA] =	sst s10  }
0x32: {  	s10 =	sld [smem:$0x3FB8];
	_ =	sdelay $0x3  }
0x33: {  	p0 =	seq.s32 s10, $0x1;
	s10 =	sld [smem:$0x3FBA];
	_ =	sdelay $0x3  }
0x34: {  	[smem:$0x3FBA] =	sst s10  }
0x35: {  	s10 =	sld [smem:$0x3FB9];
	_ =	sdelay $0x3  }
0x36: {  	p1 =	seq.s32 s10, $0x1;
	s10 =	sld [smem:$0x3FBA];
	_ =	sdelay $0x3  }
0x37: {  	[smem:$0x3FBA] =	sst s10  }
0x38: {  	s10 =	sld [smem:$0x3FBB]  }
0x39: {  	_ = 	snop;
	(pc) =	sbr.ind lr, $3  }
0x3a: {  	_ = 	snop  }
0x3b: {  	_ = 	snop  }
0x3c: {  	p2 =	seq.s32 s10, $0x1;
	s10 =	sld [smem:$0x3FBA]  }
0x3d: {  	_ =	shalt  }
0x3e: {  	_ =	shalt  }
0x3f: {  	_ =	shalt  }
0x40: {  	_ =	shalt  }
0x41: {  	_ =	shalt  }
0x42: {  	_ =	shalt  }
0x43: {  	_ =	shalt  }
0x44: {  	_ =	shalt  }
0x45: {  	_ =	shalt  }
0x46: {  	_ =	shalt  }
0x47: {  	_ =	shalt  }
0x48: {  	_ =	shalt  }
0x49: {  	_ =	shalt  }
0x4a: {  	_ =	shalt  }
0x4b: {  	_ =	shalt  }
0x4c: {  	_ =	shalt  }
0x4d: {  	_ =	shalt  }
0x4e: {  	_ =	shalt  }
0x4f: {  	_ =	shalt  }
0x50: {  	_ =	shalt  }
0x51: {  	_ =	shalt  }
0x52: {  	_ =	shalt  }
0x53: {  	_ =	shalt  }
0x54: {  	_ =	shalt  }
0x55: {  	_ =	shalt  }
0x56: {  	_ =	shalt  }
0x57: {  	_ =	shalt  }
0x58: {  	_ =	shalt  }
0x59: {  	_ =	shalt  }
0x5a: {  	_ =	shalt  }
0x5b: {  	_ =	shalt  }
0x5c: {  	_ =	shalt  }
0x5d: {  	_ =	shalt  }
0x5e: {  	_ =	shalt  }
0x5f: {  	_ =	shalt  }
0x60: {  	_ =	shalt  }
0x61: {  	_ =	shalt  }
0x62: {  	_ =	shalt  }
0x63: {  	_ =	shalt  }
0x64: {  	_ =	shalt  }
0x65: {  	_ =	shalt  }
0x66: {  	_ =	shalt  }
0x67: {  	_ =	shalt  }
0x68: {  	_ =	shalt  }
0x69: {  	_ =	shalt  }
0x6a: {  	_ =	shalt  }
0x6b: {  	_ =	shalt  }
0x6c: {  	_ =	shalt  }
0x6d: {  	_ =	shalt  }
0x6e: {  	_ =	shalt  }
0x6f: {  	_ =	shalt  }
0x70: {  	_ =	shalt  }
0x71: {  	_ =	shalt  }
0x72: {  	_ =	shalt  }
0x73: {  	_ =	shalt  }
0x74: {  	_ =	shalt  }
0x75: {  	_ =	shalt  }
0x76: {  	_ =	shalt  }
0x77: {  	_ =	shalt  }
0x78: {  	_ =	shalt  }
0x79: {  	_ =	shalt  }
0x7a: {  	_ =	shalt  }
0x7b: {  	_ =	shalt  }
0x7c: {  	_ =	shalt  }
0x7d: {  	_ =	shalt  }
0x7e: {  	_ =	shalt  }
0x7f: {  	_ =	shalt  }
0x80: {  	_ =	shalt  }
0x81: {  	_ =	shalt  }
0x82: {  	_ =	shalt  }
0x83: {  	_ =	shalt  }
0x84: {  	_ =	shalt  }
0x85: {  	_ =	shalt  }
0x86: {  	_ =	shalt  }
0x87: {  	_ =	shalt  }
.Lfunc_end0:
.L_simem_size_0:
called_computation.1_lowered:
.L_overlay_start_0:
0x88: {  	s2 =	sld [smem:$0x3FD9]  }
0x89: {  	s3 =	sld [smem:$0x3FFE];
	_ =	sdelay $0x1  }
0x8a: {  	s1 =	srdreg.scid  }
0x8b: {  	s0 =	sand.u32 $0x1, s1  }
0x8c: {  	s17 =	sshll.u32 s0, $0xA;
	s2 =	sadd.s32 s3, s2  }
0x8d: {  	s2 =	sadd.s32 s2, s17  }
0x8e: {  	[smem:$0x3FC6] =	sst s2  }
0x8f: {  	_ = 	snop  }
0x90: {  	s2 =	sld [smem:$0x3FD0];
	(tm) =	ssettm $0x1  }
0x91: {  	s18 =	sld [smem:$0x3FFB];
	_ =	sdelay $0x3  }
0x92: {  	_ =	strace s18  }
0x93: {  	s3 =	sld [smem:$0x3FFC];
	_ =	sdelay $0x3  }
0x94: {  	_ =	strace s3  }
0x95: {  	s3 =	sld [smem:$0x3FFD];
	_ =	sdelay $0x3  }
0x96: {  	_ =	strace s3  }
0x97: {  	_ =	strace $0x8FFFFFFF  }
0x98: {  	s19 =	sld [smem:$0x3FDB];
	_ =	sdelay $0x1  }
0x99: {  	s4 =	simm.s32 $_scs_section_size  }
0x9a: {  	s5 =	simm.s32 $_size__tile_overlayer_lowered;
	s6 =	simm.s32 $_tile_overlayer_lowered  }
0x9b: {  	s22 =	simm.s32 $0x1BFF;
	s21 =	sshll.u32 s6, $0x1;
	s3 =	sadd.s32 s4, s19  }
0x9c: {  	s7 =	simm.s32 $0x0;
	s20 =	sshll.u32 s5, $0x1;
	s5 =	sadd.s32 s21, s3  }
0x9d: {  	[timem:s7], [sflag:s22] =	dma.local [hbm:s5], s20  }
0x9e: {  	_ =	swait.ge [sflag:s22], s20  }
0x9f: {  	s4 =	ssub.s32 $0x0, s20;
	[sflag:s22] =	ssyncset.done $0x0  }
0xa0: {  	[sflag:s22] =	ssyncadd.s32 s4;
	_ =	sdelay $0x1  }
0xa1: {  	s23 =	simm.s32 $0x1B8B  }
0xa2: {  	_ =	swait.ge [sflag:s23], $0x1  }
0xa3: {  	[sflag:s23] =	ssyncset.done $0x0  }
0xa4: {  	s25 =	simm.s32 $0x1B8E;
	s24 =	sld [smem:$0x3FFE];
	[sflag:s23] =	ssyncadd.s32 $0xFFFFFFFF  }
0xa5: {  	s26 =	simm.s32 $execute0_lowered;
	[smem:$0x3FD2] =	sst s25  }
0xa6: {  	s5 =	sshll.u32 s26, $0x1;
	_ =	strace $0x80000046;
	[dreg:$0x1] =	wrdreg $0xFFFFFFFF  }
0xa7: {  	s28 =	simm.s32 $_size_execute0_lowered;
	s3 =	sadd.s32 s3, s5;
	[dreg:$0x0] =	wrdreg $0x0  }
0xa8: {  	s5 =	sshll.u32 s28, $0x1;
	[dreg:$0x2] =	wrdreg s3  }
0xa9: {  	[dreg:$0x3] =	wrdreg s5  }
0xaa: {  	[dreg:$0x4] =	wrdreg $0xC0  }
0xab: {  	_ =	task [dreg:s7], $0x5FFFF  }
0xac: {  	[dreg:$0x1] =	wrdreg $0xFFFFFFFF  }
0xad: {  	[dreg:$0x0] =	wrdreg $0x60  }
0xae: {  	[dreg:$0x2] =	wrdreg s2  }
0xaf: {  	[dreg:$0x3] =	wrdreg s24  }
0xb0: {  	[dreg:$0x4] =	wrdreg $0x9  }
0xb1: {  	_ =	task.clear_ibuf [dreg:s7], $0x5FFFF;
	_ =	strace $0x90000046  }
0xb2: {  	s29 =	simm.s32 $0x9;
	_ =	strace $0x80000048  }
0xb3: {  	_ =	swait.ge [sflag:s29], $0x1  }
0xb4: {  	[sflag:s29] =	ssyncadd.s32 $0xFFFFFFFF  }
0xb5: {  	_ =	strace $0x90000048  }
0xb6: {  	_ =	sfence  }
0xb7: {  	s30 =	sld [smem:$0x0];
	_ =	sdelay $0x2  }
0xb8: {  	s31 =	sshll.u32 s1, $0xD;
	s1 =	sshrl.u32 s1, $0x2  }
0xb9: {  	s3 =	sand.u32 $0x4000, s31;
	s1 =	sadd.s32 s1, s30  }
0xba: {  	s0 =	sor.u32 s3, s0;
	s1 =	sshll.u32 s1, $0x11  }
0xbb: {  	s0 =	sor.u32 s1, s0  }
0xbc: {  	s0 =	sadd.s32 $0x8F2B, s0  }
0xbd: {  	[sflag:s0] =	ssyncadd.remote.s32 $0x1  }
0xbe: {  	_ =	sfence.sel $0xFFFF  }
0xbf: {  	[dreg:$0x0] =	wrdreg $0xFFFFFFFF;
	(pc) =	sbr.abs _section_cstart, $3  }
0xc0: {  	[dreg:$0x1] =	wrdreg $0xFFFFFFFF  }
0xc1: {  	_ =	task.clear_ibuf [dreg:s7], $0x2FFFF;
	_ =	strace $0x9FFFFFFF  }
0xc2: {  	(tm) =	ssettm $0x7FFFFFFF  }
0xc3: {  	_ =	shalt  }
tec
execute0_lowered:
.L_overlay_start_1:
0x0: {  	(tag) =	ssettag $0x1  }
0x1: {  	s0 =	rddreg [dreg:$0x0]  }
0x2: {  	s1 =	rddreg [dreg:$0x1]  }
0x3: {  	s2 =	srdreg.scid;
	s8 =	stileid.u32  }
0x4: {  	s5 =	simm.s32 $0x0;
	s16 =	simm.s32 $0xC8;
	s28 =	simm.s32 $0x5  }
0x5: {  	s30 =	simm.s32 $0x6;
	s9 =	simm.s32 $0xD;
	s10 =	simm.s32 $0xE  }
0x6: {  	s11 =	simm.s32 $0xF;
	s12 =	simm.s32 $0x10;
	s2 =	sand.u32 $0x1, s2  }
0x7: {  	s3 =	sshll.u32 s8, $0x8;
	[smem:$0x7FF] =	sst s5;
	s4 =	sshll.u32 s2, $0x7  }
0x8: {  	s25 =	smul.u32 $0xC8000, s8;
	s6 =	ssub.s32 $0x2, s2;
	s4 =	sor.u32 s4, s3  }
0x9: {  	_ =	strace $0x80000047;
	s7 =	sshrl.u32 s6, $0x1;
	s18 =	smul.u32 $0x6400, s4  }
0xa: {  	s3 =	sadd.s32 $0xF42E00, s1;
	s4 =	smul.u32 $0x19, s4;
	s6 =	ssub.s32 s6, s7  }
0xb: {  	s1 =	sadd.s32 $0xA00, s1;
	s29 =	smax.u32 s6, $0x1;
	s5 =	sshrl.u32 s18, $0x3  }
0xc: {  	s0 =	sadd.s32 s0, s4;
	[dreg:$0xc] =	wrdreg s29;
	s19 =	sadd.s32 s1, s5  }
0xd: {  	s8 =	simm.s32 $0xC;
	[dreg:$0x3] =	wrdreg s0;
	s20 =	sadd.s32 $0x5DC00, s19  }
0xe: {  	s2 =	smul.u32 $0x64000, s2;
	s21 =	sadd.s32 $0x5E880, s19;
	[dreg:$0x4] =	wrdreg s20  }
0xf: {  	s31 =	sadd.s32 s25, s1;
	s22 =	sadd.s32 $0x5F500, s19;
	[dreg:$0x5] =	wrdreg s21  }
0x10: {  	s25 =	simm.s32 $0x4;
	s23 =	sadd.s32 $0x60180, s19;
	[dreg:$0x6] =	wrdreg s22  }
0x11: {  	s7 =	simm.s32 $0xB;
	s24 =	sadd.s32 $0x60E00, s19;
	[dreg:$0x7] =	wrdreg s23  }
0x12: {  	s6 =	simm.s32 $0xA;
	s5 =	sadd.s32 $0x61A80, s19;
	[dreg:$0x8] =	wrdreg s24  }
0x13: {  	s4 =	simm.s32 $0x8;
	s26 =	sadd.s32 $0x62700, s19;
	[dreg:$0x9] =	wrdreg s5  }
0x14: {  	s1 =	simm.s32 $0x40;
	s0 =	sadd.s32 $0x63380, s19;
	[dreg:$0xa] =	wrdreg s26  }
0x15: {  	s19 =	simm.s32 $0x80;
	[dreg:$0xb] =	wrdreg s0;
	s0 =	sadd.s32 s2, s31  }
0x16: {  	s21 =	simm.s32 $0x2;
	s23 =	simm.s32 $0x3;
	s2 =	simm.s32 $0x7  }
0x17: {  	s5 =	simm.s32 $0x9;
	[dreg:$0xd] =	wrdreg s0;
	s0 =	simm.s32 $0x0  }
.LBB2_1:
0x18: {  	[dreg:$0xe] =	wrdreg s0  }
0x19: {  	s13 =	simm.s32 $0x0;
	s14 =	rddreg [dreg:$0x3];
	s22 =	simm.s32 $0x11  }
0x1a: {  	[tilespmem:s13], [sflag:$0x11] =	stream.linear.gather [hbm4b:s14+s13], $0x6400, $0x38;
	[tilespmem:$0x1F400] =	vst v63  }
0x1b: {  	_ =	swait.ge [sflag:s22], $0x6400  }
0x1c: {  	[sflag:s22] =	ssyncset.done $0x0  }
0x1d: {  	s14 =	simm.s32 $0x6400;
	[sflag:s22] =	ssyncadd.s32 $0xFFFF9C00  }
0x1e: {  	[tilespmem:s14], [sflag:$0x1] =	stream.indirect.gather [hbm4b:s3+s16], $0x40, s13, s16, $0xb8;
	[tilespmem:$0x1F400] =	vst v63  }
0x1f: {  	s15 =	simm.s32 $0x9600  }
0x20: {  	[tilespmem:s15], [sflag:$0x2] =	stream.indirect.gather [hbm4b:s3+s16], $0x40, s16, s16, $0xb8;
	[tilespmem:$0x1F400] =	vst v63  }
0x21: {  	s24 =	simm.s32 $0x190;
	s18 =	simm.s32 $0xC800  }
0x22: {  	[tilespmem:s18], [sflag:$0x3] =	stream.indirect.gather [hbm4b:s3+s16], $0x40, s24, s16, $0xb8;
	[tilespmem:$0x1F400] =	vst v63  }
0x23: {  	s26 =	simm.s32 $0x258;
	s20 =	simm.s32 $0xFA00  }
0x24: {  	[tilespmem:s20], [sflag:$0x4] =	stream.indirect.gather [hbm4b:s3+s16], $0x40, s26, s16, $0xb8;
	[tilespmem:$0x1F400] =	vst v63  }
0x25: {  	s29 =	simm.s32 $0x320;
	s22 =	simm.s32 $0x12C00  }
0x26: {  	[tilespmem:s22], [sflag:$0x5] =	stream.indirect.gather [hbm4b:s3+s16], $0x40, s29, s16, $0xb8;
	[tilespmem:$0x1F400] =	vst v63  }
0x27: {  	s31 =	simm.s32 $0x3E8;
	s24 =	simm.s32 $0x15E00  }
0x28: {  	[tilespmem:s24], [sflag:$0x6] =	stream.indirect.gather [hbm4b:s3+s16], $0x40, s31, s16, $0xb8;
	[tilespmem:$0x1F400] =	vst v63  }
0x29: {  	s0 =	simm.s32 $0x4B0;
	s26 =	simm.s32 $0x19000  }
0x2a: {  	[tilespmem:s26], [sflag:$0x7] =	stream.indirect.gather [hbm4b:s3+s16], $0x40, s0, s16, $0xb8;
	[tilespmem:$0x1F400] =	vst v63  }
0x2b: {  	s17 =	simm.s32 $0x1;
	s13 =	simm.s32 $0x578;
	s29 =	simm.s32 $0x1C200  }
0x2c: {  	[tilespmem:s29], [sflag:$0x8] =	stream.indirect.gather [hbm4b:s3+s16], $0x40, s13, s16, $0xb8;
	[tilespmem:$0x1F400] =	vst v63  }
0x2d: {  	_ =	swait.ge [sflag:s17], $0x3200  }
0x2e: {  	[sflag:s17] =	ssyncset.done $0x0  }
0x2f: {  	[sflag:s17] =	ssyncadd.s32 $0xFFFFCE00;
	s17 =	rddreg [dreg:$0xd]  }
0x30: {  	[hbm4b:s17+s1] =	stream.strided.scatter [tilespmem:s14], [sflag:$0x9], $0x3200, s19, s1, $0x38;
	[tilespmem:$0x1F400] =	vst v63  }
0x31: {  	_ =	swait.ge [sflag:s21], $0x3200  }
0x32: {  	[sflag:s21] =	ssyncset.done $0x0  }
0x33: {  	s31 =	sadd.s32 $0xC80, s17;
	[sflag:s21] =	ssyncadd.s32 $0xFFFFCE00  }
0x34: {  	[hbm4b:s31+s1] =	stream.strided.scatter [tilespmem:s15], [sflag:$0xA], $0x3200, s19, s1, $0x38;
	[tilespmem:$0x1F400] =	vst v63  }
0x35: {  	_ =	swait.ge [sflag:s23], $0x3200  }
0x36: {  	[sflag:s23] =	ssyncset.done $0x0  }
0x37: {  	s0 =	sadd.s32 $0x1900, s17;
	[sflag:s23] =	ssyncadd.s32 $0xFFFFCE00  }
0x38: {  	[hbm4b:s0+s1] =	stream.strided.scatter [tilespmem:s18], [sflag:$0xB], $0x3200, s19, s1, $0x38;
	[tilespmem:$0x1F400] =	vst v63  }
0x39: {  	_ =	swait.ge [sflag:s25], $0x3200  }
0x3a: {  	[sflag:s25] =	ssyncset.done $0x0  }
0x3b: {  	s31 =	sadd.s32 $0x2580, s17;
	[sflag:s25] =	ssyncadd.s32 $0xFFFFCE00  }
0x3c: {  	[hbm4b:s31+s1] =	stream.strided.scatter [tilespmem:s20], [sflag:$0xC], $0x3200, s19, s1, $0x38;
	[tilespmem:$0x1F400] =	vst v63  }
0x3d: {  	_ =	swait.ge [sflag:s28], $0x3200  }
0x3e: {  	[sflag:s28] =	ssyncset.done $0x0  }
0x3f: {  	s0 =	sadd.s32 $0x3200, s17;
	[sflag:s28] =	ssyncadd.s32 $0xFFFFCE00  }
0x40: {  	[hbm4b:s0+s1] =	stream.strided.scatter [tilespmem:s22], [sflag:$0xD], $0x3200, s19, s1, $0x38;
	[tilespmem:$0x1F400] =	vst v63  }
0x41: {  	_ =	swait.ge [sflag:s30], $0x3200  }
0x42: {  	[sflag:s30] =	ssyncset.done $0x0  }
0x43: {  	s31 =	sadd.s32 $0x3E80, s17;
	[sflag:s30] =	ssyncadd.s32 $0xFFFFCE00  }
0x44: {  	[hbm4b:s31+s1] =	stream.strided.scatter [tilespmem:s24], [sflag:$0xE], $0x3200, s19, s1, $0x38;
	[tilespmem:$0x1F400] =	vst v63  }
0x45: {  	_ =	swait.ge [sflag:s2], $0x3200  }
0x46: {  	[sflag:s2] =	ssyncset.done $0x0  }
0x47: {  	s0 =	sadd.s32 $0x4B00, s17;
	[sflag:s2] =	ssyncadd.s32 $0xFFFFCE00  }
0x48: {  	[hbm4b:s0+s1] =	stream.strided.scatter [tilespmem:s26], [sflag:$0xF], $0x3200, s19, s1, $0x38;
	[tilespmem:$0x1F400] =	vst v63  }
0x49: {  	_ =	swait.ge [sflag:s4], $0x3200  }
0x4a: {  	[sflag:s4] =	ssyncset.done $0x0  }
0x4b: {  	s31 =	sadd.s32 $0x5780, s17;
	[sflag:s4] =	ssyncadd.s32 $0xFFFFCE00  }
0x4c: {  	[hbm4b:s31+s1] =	stream.strided.scatter [tilespmem:s29], [sflag:$0x10], $0x3200, s19, s1, $0x38;
	[tilespmem:$0x1F400] =	vst v63  }
0x4d: {  	_ =	swait.ge [sflag:s5], $0x3200  }
0x4e: {  	[sflag:s5] =	ssyncset.done $0x0  }
0x4f: {  	s0 =	simm.s32 $0x640;
	[sflag:s5] =	ssyncadd.s32 $0xFFFFCE00  }
0x50: {  	[tilespmem:s14], [sflag:$0x1] =	stream.indirect.gather [hbm4b:s3+s16], $0x40, s0, s16, $0xb8;
	[tilespmem:$0x1F400] =	vst v63  }
0x51: {  	_ =	swait.ge [sflag:s6], $0x3200  }
0x52: {  	[sflag:s6] =	ssyncset.done $0x0  }
0x53: {  	s14 =	simm.s32 $0x708;
	[sflag:s6] =	ssyncadd.s32 $0xFFFFCE00  }
0x54: {  	[tilespmem:s15], [sflag:$0x2] =	stream.indirect.gather [hbm4b:s3+s16], $0x40, s14, s16, $0xb8;
	[tilespmem:$0x1F400] =	vst v63  }
0x55: {  	_ =	swait.ge [sflag:s7], $0x3200  }
0x56: {  	[sflag:s7] =	ssyncset.done $0x0  }
0x57: {  	s15 =	simm.s32 $0x7D0;
	[sflag:s7] =	ssyncadd.s32 $0xFFFFCE00  }
0x58: {  	[tilespmem:s18], [sflag:$0x3] =	stream.indirect.gather [hbm4b:s3+s16], $0x40, s15, s16, $0xb8;
	[tilespmem:$0x1F400] =	vst v63  }
0x59: {  	_ =	swait.ge [sflag:s8], $0x3200  }
0x5a: {  	[sflag:s8] =	ssyncset.done $0x0  }
0x5b: {  	s18 =	simm.s32 $0x898;
	[sflag:s8] =	ssyncadd.s32 $0xFFFFCE00  }
0x5c: {  	[tilespmem:s20], [sflag:$0x4] =	stream.indirect.gather [hbm4b:s3+s16], $0x40, s18, s16, $0xb8;
	[tilespmem:$0x1F400] =	vst v63  }
0x5d: {  	_ =	swait.ge [sflag:s9], $0x3200  }
0x5e: {  	[sflag:s9] =	ssyncset.done $0x0  }
0x5f: {  	s20 =	simm.s32 $0x960;
	[sflag:s9] =	ssyncadd.s32 $0xFFFFCE00  }
0x60: {  	[tilespmem:s22], [sflag:$0x5] =	stream.indirect.gather [hbm4b:s3+s16], $0x40, s20, s16, $0xb8;
	[tilespmem:$0x1F400] =	vst v63  }
0x61: {  	_ =	swait.ge [sflag:s10], $0x3200  }
0x62: {  	[sflag:s10] =	ssyncset.done $0x0  }
0x63: {  	s29 =	simm.s32 $0xA28;
	[sflag:s10] =	ssyncadd.s32 $0xFFFFCE00  }
0x64: {  	[tilespmem:s24], [sflag:$0x6] =	stream.indirect.gather [hbm4b:s3+s16], $0x40, s29, s16, $0xb8;
	[tilespmem:$0x1F400] =	vst v63  }
0x65: {  	_ =	swait.ge [sflag:s11], $0x3200  }
0x66: {  	[sflag:s11] =	ssyncset.done $0x0  }
0x67: {  	s31 =	simm.s32 $0xAF0;
	[sflag:s11] =	ssyncadd.s32 $0xFFFFCE00  }
0x68: {  	[tilespmem:s26], [sflag:$0x7] =	stream.indirect.gather [hbm4b:s3+s16], $0x40, s31, s16, $0xb8;
	[tilespmem:$0x1F400] =	vst v63  }
0x69: {  	_ =	swait.ge [sflag:s12], $0x3200  }
0x6a: {  	s13 =	sadd.s32 $0x6400, s17;
	[sflag:s12] =	ssyncset.done $0x0  }
0x6b: {  	s14 =	simm.s32 $0xBB8;
	s15 =	simm.s32 $0x1900;
	[sflag:s12] =	ssyncadd.s32 $0xFFFFCE00  }
.LBB2_2:
0x6c: {  	s20 =	simm.s32 $0x1C200  }
0x6d: {  	[tilespmem:s20], [sflag:$0x8] =	stream.indirect.gather [hbm4b:s3+s16], $0x40, s14, s16, $0xb8;
	[tilespmem:$0x1F400] =	vst v63  }
0x6e: {  	s0 =	simm.s32 $0x1;
	s14 =	smov.u32 s15  }
0x6f: {  	p0 =	sne.s32 s15, $0x15E00;
	s15 =	sadd.s32 $0x1900, s15;
	_ =	swait.ge [sflag:s0], $0x3200  }
0x70: {  	[sflag:s0] =	ssyncset.done $0x0  }
0x71: {  	s18 =	simm.s32 $0x6400;
	[sflag:s0] =	ssyncadd.s32 $0xFFFFCE00  }
0x72: {  	[hbm4b:s13+s1] =	stream.strided.scatter [tilespmem:s18], [sflag:$0x9], $0x3200, s19, s1, $0x38;
	[tilespmem:$0x1F400] =	vst v63  }
0x73: {  	_ =	swait.ge [sflag:s21], $0x3200  }
0x74: {  	[sflag:s21] =	ssyncset.done $0x0  }
0x75: {  	s17 =	sadd.s32 $0xC80, s13;
	s22 =	simm.s32 $0x9600;
	[sflag:s21] =	ssyncadd.s32 $0xFFFFCE00  }
0x76: {  	[hbm4b:s17+s1] =	stream.strided.scatter [tilespmem:s22], [sflag:$0xA], $0x3200, s19, s1, $0x38;
	[tilespmem:$0x1F400] =	vst v63  }
0x77: {  	_ =	swait.ge [sflag:s23], $0x3200  }
0x78: {  	[sflag:s23] =	ssyncset.done $0x0  }
0x79: {  	s24 =	simm.s32 $0xC800;
	s17 =	sadd.s32 $0x1900, s13;
	[sflag:s23] =	ssyncadd.s32 $0xFFFFCE00  }
0x7a: {  	[hbm4b:s17+s1] =	stream.strided.scatter [tilespmem:s24], [sflag:$0xB], $0x3200, s19, s1, $0x38;
	[tilespmem:$0x1F400] =	vst v63  }
0x7b: {  	_ =	swait.ge [sflag:s25], $0x3200  }
0x7c: {  	[sflag:s25] =	ssyncset.done $0x0  }
0x7d: {  	s26 =	simm.s32 $0xFA00;
	s17 =	sadd.s32 $0x2580, s13;
	[sflag:s25] =	ssyncadd.s32 $0xFFFFCE00  }
0x7e: {  	[hbm4b:s17+s1] =	stream.strided.scatter [tilespmem:s26], [sflag:$0xC], $0x3200, s19, s1, $0x38;
	[tilespmem:$0x1F400] =	vst v63  }
0x7f: {  	_ =	swait.ge [sflag:s28], $0x3200  }
0x80: {  	[sflag:s28] =	ssyncset.done $0x0  }
0x81: {  	s29 =	simm.s32 $0x12C00;
	s17 =	sadd.s32 $0x3200, s13;
	[sflag:s28] =	ssyncadd.s32 $0xFFFFCE00  }
0x82: {  	[hbm4b:s17+s1] =	stream.strided.scatter [tilespmem:s29], [sflag:$0xD], $0x3200, s19, s1, $0x38;
	[tilespmem:$0x1F400] =	vst v63  }
0x83: {  	_ =	swait.ge [sflag:s30], $0x3200  }
0x84: {  	[sflag:s30] =	ssyncset.done $0x0  }
0x85: {  	s31 =	simm.s32 $0x15E00;
	s17 =	sadd.s32 $0x3E80, s13;
	[sflag:s30] =	ssyncadd.s32 $0xFFFFCE00  }
0x86: {  	[hbm4b:s17+s1] =	stream.strided.scatter [tilespmem:s31], [sflag:$0xE], $0x3200, s19, s1, $0x38;
	[tilespmem:$0x1F400] =	vst v63  }
0x87: {  	_ =	swait.ge [sflag:s2], $0x3200  }
0x88: {  	[sflag:s2] =	ssyncset.done $0x0  }
0x89: {  	s0 =	simm.s32 $0x19000;
	s17 =	sadd.s32 $0x4B00, s13;
	[sflag:s2] =	ssyncadd.s32 $0xFFFFCE00  }
0x8a: {  	[hbm4b:s17+s1] =	stream.strided.scatter [tilespmem:s0], [sflag:$0xF], $0x3200, s19, s1, $0x38;
	[tilespmem:$0x1F400] =	vst v63  }
0x8b: {  	_ =	swait.ge [sflag:s4], $0x3200  }
0x8c: {  	[sflag:s4] =	ssyncset.done $0x0  }
0x8d: {  	s17 =	sadd.s32 $0x5780, s13;
	[sflag:s4] =	ssyncadd.s32 $0xFFFFCE00  }
0x8e: {  	[hbm4b:s17+s1] =	stream.strided.scatter [tilespmem:s20], [sflag:$0x10], $0x3200, s19, s1, $0x38;
	[tilespmem:$0x1F400] =	vst v63  }
0x8f: {  	_ =	swait.ge [sflag:s5], $0x3200  }
0x90: {  	s14 =	sshra.s32 s14, $0x2;
	[sflag:s5] =	ssyncset.done $0x0  }
0x91: {  	s17 =	sadd.s32 $0x640, s14;
	s20 =	simm.s32 $0x6400;
	[sflag:s5] =	ssyncadd.s32 $0xFFFFCE00  }
0x92: {  	[tilespmem:s18], [sflag:$0x1] =	stream.indirect.gather [hbm4b:s3+s16], $0x40, s17, s16, $0xb8;
	[tilespmem:$0x1F400] =	vst v63  }
0x93: {  	_ =	swait.ge [sflag:s6], $0x3200  }
0x94: {  	[sflag:s6] =	ssyncset.done $0x0  }
0x95: {  	s17 =	sadd.s32 $0x708, s14;
	s18 =	simm.s32 $0x9600;
	[sflag:s6] =	ssyncadd.s32 $0xFFFFCE00  }
0x96: {  	[tilespmem:s22], [sflag:$0x2] =	stream.indirect.gather [hbm4b:s3+s16], $0x40, s17, s16, $0xb8;
	[tilespmem:$0x1F400] =	vst v63  }
0x97: {  	_ =	swait.ge [sflag:s7], $0x3200  }
0x98: {  	[sflag:s7] =	ssyncset.done $0x0  }
0x99: {  	s17 =	sadd.s32 $0x7D0, s14;
	s22 =	simm.s32 $0xC800;
	[sflag:s7] =	ssyncadd.s32 $0xFFFFCE00  }
0x9a: {  	[tilespmem:s24], [sflag:$0x3] =	stream.indirect.gather [hbm4b:s3+s16], $0x40, s17, s16, $0xb8;
	[tilespmem:$0x1F400] =	vst v63  }
0x9b: {  	_ =	swait.ge [sflag:s8], $0x3200  }
0x9c: {  	[sflag:s8] =	ssyncset.done $0x0  }
0x9d: {  	s17 =	sadd.s32 $0x898, s14;
	s24 =	simm.s32 $0xFA00;
	[sflag:s8] =	ssyncadd.s32 $0xFFFFCE00  }
0x9e: {  	[tilespmem:s26], [sflag:$0x4] =	stream.indirect.gather [hbm4b:s3+s16], $0x40, s17, s16, $0xb8;
	[tilespmem:$0x1F400] =	vst v63  }
0x9f: {  	_ =	swait.ge [sflag:s9], $0x3200  }
0xa0: {  	[sflag:s9] =	ssyncset.done $0x0  }
0xa1: {  	s17 =	sadd.s32 $0x960, s14;
	s26 =	simm.s32 $0x12C00;
	[sflag:s9] =	ssyncadd.s32 $0xFFFFCE00  }
0xa2: {  	[tilespmem:s29], [sflag:$0x5] =	stream.indirect.gather [hbm4b:s3+s16], $0x40, s17, s16, $0xb8;
	[tilespmem:$0x1F400] =	vst v63  }
0xa3: {  	_ =	swait.ge [sflag:s10], $0x3200  }
0xa4: {  	[sflag:s10] =	ssyncset.done $0x0  }
0xa5: {  	s17 =	sadd.s32 $0xA28, s14;
	s29 =	simm.s32 $0x15E00;
	[sflag:s10] =	ssyncadd.s32 $0xFFFFCE00  }
0xa6: {  	[tilespmem:s31], [sflag:$0x6] =	stream.indirect.gather [hbm4b:s3+s16], $0x40, s17, s16, $0xb8;
	[tilespmem:$0x1F400] =	vst v63  }
0xa7: {  	_ =	swait.ge [sflag:s11], $0x3200  }
0xa8: {  	s17 =	sadd.s32 $0xAF0, s14;
	[sflag:s11] =	ssyncset.done $0x0  }
.Ltmp0:
0xa9: {  	s31 =	simm.s32 $0x19000;
	[sflag:s11] =	ssyncadd.s32 $0xFFFFCE00;
	(pc) =	sbr.rel @p0 .LBB2_2-.Ltmp0, $4  }
0xaa: {  	[tilespmem:s0], [sflag:$0x7] =	stream.indirect.gather [hbm4b:s3+s16], $0x40, s17, s16, $0xb8;
	[tilespmem:$0x1F400] =	vst v63  }
0xab: {  	_ =	swait.ge [sflag:s12], $0x3200  }
0xac: {  	[sflag:s12] =	ssyncset.done $0x0  }
0xad: {  	s13 =	sadd.s32 $0x6400, s13;
	s14 =	sadd.s32 $0xBB8, s14;
	[sflag:s12] =	ssyncadd.s32 $0xFFFFCE00  }
0xae: {  	s0 =	simm.s32 $0x1C200;
	s13 =	simm.s32 $0x1  }
0xaf: {  	[tilespmem:s0], [sflag:$0x8] =	stream.indirect.gather [hbm4b:s3+s16], $0x40, s14, s16, $0xb8;
	[tilespmem:$0x1F400] =	vst v63  }
0xb0: {  	_ =	swait.ge [sflag:s13], $0x3200  }
0xb1: {  	[sflag:s13] =	ssyncset.done $0x0  }
0xb2: {  	s14 =	rddreg [dreg:$0x4];
	[sflag:s13] =	ssyncadd.s32 $0xFFFFCE00  }
0xb3: {  	[hbm4b:s14+s1] =	stream.strided.scatter [tilespmem:s20], [sflag:$0x9], $0x3200, s19, s1, $0x38;
	[tilespmem:$0x1F400] =	vst v63  }
0xb4: {  	_ =	swait.ge [sflag:s21], $0x3200  }
0xb5: {  	[sflag:s21] =	ssyncset.done $0x0  }
0xb6: {  	s15 =	rddreg [dreg:$0x5];
	[sflag:s21] =	ssyncadd.s32 $0xFFFFCE00  }
0xb7: {  	[hbm4b:s15+s1] =	stream.strided.scatter [tilespmem:s18], [sflag:$0xA], $0x3200, s19, s1, $0x38;
	[tilespmem:$0x1F400] =	vst v63  }
0xb8: {  	_ =	swait.ge [sflag:s23], $0x3200  }
0xb9: {  	[sflag:s23] =	ssyncset.done $0x0  }
0xba: {  	s17 =	rddreg [dreg:$0x6];
	[sflag:s23] =	ssyncadd.s32 $0xFFFFCE00  }
0xbb: {  	[hbm4b:s17+s1] =	stream.strided.scatter [tilespmem:s22], [sflag:$0xB], $0x3200, s19, s1, $0x38;
	[tilespmem:$0x1F400] =	vst v63  }
0xbc: {  	_ =	swait.ge [sflag:s25], $0x3200  }
0xbd: {  	[sflag:s25] =	ssyncset.done $0x0  }
0xbe: {  	s18 =	rddreg [dreg:$0x7];
	[sflag:s25] =	ssyncadd.s32 $0xFFFFCE00  }
0xbf: {  	[hbm4b:s18+s1] =	stream.strided.scatter [tilespmem:s24], [sflag:$0xC], $0x3200, s19, s1, $0x38;
	[tilespmem:$0x1F400] =	vst v63  }
0xc0: {  	_ =	swait.ge [sflag:s28], $0x3200  }
0xc1: {  	[sflag:s28] =	ssyncset.done $0x0  }
0xc2: {  	s20 =	rddreg [dreg:$0x8];
	[sflag:s28] =	ssyncadd.s32 $0xFFFFCE00  }
0xc3: {  	[hbm4b:s20+s1] =	stream.strided.scatter [tilespmem:s26], [sflag:$0xD], $0x3200, s19, s1, $0x38;
	[tilespmem:$0x1F400] =	vst v63  }
0xc4: {  	_ =	swait.ge [sflag:s30], $0x3200  }
0xc5: {  	[sflag:s30] =	ssyncset.done $0x0  }
0xc6: {  	s22 =	rddreg [dreg:$0x9];
	[sflag:s30] =	ssyncadd.s32 $0xFFFFCE00  }
0xc7: {  	[hbm4b:s22+s1] =	stream.strided.scatter [tilespmem:s29], [sflag:$0xE], $0x3200, s19, s1, $0x38;
	[tilespmem:$0x1F400] =	vst v63  }
0xc8: {  	_ =	swait.ge [sflag:s2], $0x3200  }
0xc9: {  	[sflag:s2] =	ssyncset.done $0x0  }
0xca: {  	s24 =	rddreg [dreg:$0xa];
	[sflag:s2] =	ssyncadd.s32 $0xFFFFCE00  }
0xcb: {  	[hbm4b:s24+s1] =	stream.strided.scatter [tilespmem:s31], [sflag:$0xF], $0x3200, s19, s1, $0x38;
	[tilespmem:$0x1F400] =	vst v63  }
0xcc: {  	_ =	swait.ge [sflag:s4], $0x3200  }
0xcd: {  	[sflag:s4] =	ssyncset.done $0x0  }
0xce: {  	s26 =	rddreg [dreg:$0xb];
	[sflag:s4] =	ssyncadd.s32 $0xFFFFCE00  }
0xcf: {  	[hbm4b:s26+s1] =	stream.strided.scatter [tilespmem:s0], [sflag:$0x10], $0x3200, s19, s1, $0x38;
	[tilespmem:$0x1F400] =	vst v63  }
0xd0: {  	_ =	swait.ge [sflag:s5], $0x3200  }
0xd1: {  	[sflag:s5] =	ssyncset.done $0x0  }
0xd2: {  	[sflag:s5] =	ssyncadd.s32 $0xFFFFCE00  }
0xd3: {  	_ =	swait.ge [sflag:s6], $0x3200  }
0xd4: {  	[sflag:s6] =	ssyncset.done $0x0  }
0xd5: {  	[sflag:s6] =	ssyncadd.s32 $0xFFFFCE00  }
0xd6: {  	_ =	swait.ge [sflag:s7], $0x3200  }
0xd7: {  	[sflag:s7] =	ssyncset.done $0x0  }
0xd8: {  	[sflag:s7] =	ssyncadd.s32 $0xFFFFCE00  }
0xd9: {  	_ =	swait.ge [sflag:s8], $0x3200  }
0xda: {  	[sflag:s8] =	ssyncset.done $0x0  }
0xdb: {  	[sflag:s8] =	ssyncadd.s32 $0xFFFFCE00  }
0xdc: {  	_ =	swait.ge [sflag:s9], $0x3200  }
0xdd: {  	[sflag:s9] =	ssyncset.done $0x0  }
0xde: {  	[sflag:s9] =	ssyncadd.s32 $0xFFFFCE00  }
0xdf: {  	_ =	swait.ge [sflag:s10], $0x3200  }
0xe0: {  	[sflag:s10] =	ssyncset.done $0x0  }
0xe1: {  	[sflag:s10] =	ssyncadd.s32 $0xFFFFCE00  }
0xe2: {  	_ =	swait.ge [sflag:s11], $0x3200  }
0xe3: {  	[sflag:s11] =	ssyncset.done $0x0  }
0xe4: {  	[sflag:s11] =	ssyncadd.s32 $0xFFFFCE00  }
0xe5: {  	_ =	swait.ge [sflag:s12], $0x3200  }
0xe6: {  	s29 =	rddreg [dreg:$0xe]  }
0xe7: {  	s31 =	rddreg [dreg:$0xc];
	s0 =	sadd.s32 $0x1, s29  }
0xe8: {  	p0 =	sne.s32 s0, s31  }
.Ltmp1:
0xe9: {  	_ = 	snop;
	(pc) =	sbr.rel @p0 .LBB2_1-.Ltmp1, $3  }
0xea: {  	_ =	sdelay $0x1  }
0xeb: {  	[sflag:s12] =	ssyncset.done $0x0  }
0xec: {  	[sflag:s12] =	ssyncadd.s32 $0xFFFFCE00  }
0xed: {  	_ =	sfence.sel $0x180000  }
0xee: {  	[bflag:$0x0] =	sbarrier.arrive $0xFFFF  }
0xef: {  	_ =	strace $0x90000047  }
0xf0: {  	s0 =	stileid.u32;
	[bflag:$0x2] =	sbarrier.arrive $0xFFFF  }
0xf1: {  	p0 =	sne.s32 s0, $0x0;
	s0 =	rddreg [dreg:$0x2]  }
0xf2: {  	s0 =	sadd.s32 @!p0 $0x100000, s0  }
0xf3: {  	[sflag:s0] =	ssyncadd.tile.s32 @!p0 $0x1;
	_ =	shalt  }
.Lfunc_end2:
_tile_overlayer_lowered:
.L_overlay_start_2:
0xf4: {  	(tag) =	ssettag $0x2  }
0xf5: {  	s0 =	rddreg [dreg:$0x0];
	s2 =	stileid.u32  }
0xf6: {  	s1 =	rddreg [dreg:$0x1];
	p0 =	sne.s32 s2, $0x0  }
0xf7: {  	s3 =	rddreg [dreg:$0x2];
	[bflag:$0x3] =	sbarrier.arrive $0xFFFF;
	s2 =	simm.s32 @!p0 $0x1C11  }
0xf8: {  	[timem:s3], [sflag:s2] =	dma.local @!p0 [hbm:s0], s1  }
0xf9: {  	s0 =	simm.s32 @!p0 $0x11  }
0xfa: {  	_ =	swait.ge @!p0 [sflag:s0], s1  }
0xfb: {  	s1 =	ssub.s32 @!p0 $0x0, s1;
	[sflag:s0] =	ssyncset.done @!p0 $0x0  }
0xfc: {  	[sflag:s0] =	ssyncadd.s32 @!p0 s1  }
0xfd: {  	[bflag:$0x3] =	sbarrier.arrive $0xFFFF  }
0xfe: {  	_ =	shalt  }

// kernel: sparse-core-data-format-call.cloned.1.call-start
scs
called_computation_lowered:
.L_overlay_start_0:
0x0: {  	s2 =	sld [smem:$0x3FD9]  }
0x1: {  	s3 =	sld [smem:$0x3FFE];
	_ =	sdelay $0x1  }
0x2: {  	s1 =	srdreg.scid  }
0x3: {  	s0 =	sand.u32 $0x1, s1  }
0x4: {  	s18 =	sshll.u32 s0, $0xA;
	s2 =	sadd.s32 s3, s2  }
0x5: {  	s2 =	sadd.s32 s2, s18  }
0x6: {  	[smem:$0x3FC6] =	sst s2  }
0x7: {  	_ = 	snop  }
0x8: {  	s2 =	sld [smem:$0x3FD0];
	(tm) =	ssettm $0x1  }
0x9: {  	s19 =	sld [smem:$0x3FFB];
	_ =	sdelay $0x3  }
0xa: {  	_ =	strace s19  }
0xb: {  	s3 =	sld [smem:$0x3FFC];
	_ =	sdelay $0x3  }
0xc: {  	_ =	strace s3  }
0xd: {  	s3 =	sld [smem:$0x3FFD];
	_ =	sdelay $0x3  }
0xe: {  	_ =	strace s3  }
0xf: {  	_ =	strace $0x8FFFFFFF  }
0x10: {  	s20 =	sld [smem:$0x3FDB];
	_ =	sdelay $0x1  }
0x11: {  	s4 =	simm.s32 $_scs_section_size  }
0x12: {  	s5 =	simm.s32 $_size__tile_overlayer_lowered;
	s6 =	simm.s32 $_tile_overlayer_lowered  }
0x13: {  	s23 =	simm.s32 $0x1BFF;
	s22 =	sshll.u32 s6, $0x1;
	s3 =	sadd.s32 s4, s20  }
0x14: {  	s7 =	simm.s32 $0x0;
	s21 =	sshll.u32 s5, $0x1;
	s5 =	sadd.s32 s22, s3  }
0x15: {  	[timem:s7], [sflag:s23] =	dma.local [hbm:s5], s21  }
0x16: {  	_ =	swait.ge [sflag:s23], s21  }
0x17: {  	s4 =	ssub.s32 $0x0, s21;
	[sflag:s23] =	ssyncset.done $0x0  }
0x18: {  	[sflag:s23] =	ssyncadd.s32 s4;
	_ =	sdelay $0x1  }
0x19: {  	s24 =	simm.s32 $0x1B8B  }
0x1a: {  	_ =	swait.ge [sflag:s24], $0x1  }
0x1b: {  	[sflag:s24] =	ssyncset.done $0x0  }
0x1c: {  	s26 =	simm.s32 $0x1B8E;
	s25 =	sld [smem:$0x3FFE];
	[sflag:s24] =	ssyncadd.s32 $0xFFFFFFFF  }
0x1d: {  	s27 =	simm.s32 $execute0_lowered;
	[smem:$0x3FD2] =	sst s26  }
0x1e: {  	s5 =	sshll.u32 s27, $0x1;
	_ =	strace $0x80000049;
	[dreg:$0x1] =	wrdreg $0xFFFFFFFF  }
0x1f: {  	s28 =	simm.s32 $_size_execute0_lowered;
	s3 =	sadd.s32 s3, s5;
	[dreg:$0x0] =	wrdreg $0x0  }
0x20: {  	s5 =	sshll.u32 s28, $0x1;
	[dreg:$0x2] =	wrdreg s3  }
0x21: {  	[dreg:$0x3] =	wrdreg s5  }
0x22: {  	[dreg:$0x4] =	wrdreg $0xC0  }
0x23: {  	_ =	task [dreg:s7], $0x5FFFF  }
0x24: {  	[dreg:$0x1] =	wrdreg $0xFFFFFFFF  }
0x25: {  	[dreg:$0x0] =	wrdreg $0x60  }
0x26: {  	[dreg:$0x2] =	wrdreg s25  }
0x27: {  	[dreg:$0x3] =	wrdreg s2  }
0x28: {  	[dreg:$0x4] =	wrdreg $0x9  }
0x29: {  	_ =	task.clear_ibuf [dreg:s7], $0x5FFFF;
	_ =	strace $0x90000049  }
0x2a: {  	s29 =	simm.s32 $0x9;
	_ =	strace $0x8000004B  }
0x2b: {  	_ =	swait.ge [sflag:s29], $0x1  }
0x2c: {  	[sflag:s29] =	ssyncadd.s32 $0xFFFFFFFF  }
0x2d: {  	_ =	strace $0x9000004B  }
0x2e: {  	_ =	sfence  }
0x2f: {  	s30 =	sld [smem:$0x0];
	_ =	sdelay $0x2  }
0x30: {  	s31 =	sshll.u32 s1, $0xD;
	s1 =	sshrl.u32 s1, $0x2  }
0x31: {  	s3 =	sand.u32 $0x4000, s31;
	s1 =	sadd.s32 s1, s30  }
0x32: {  	s0 =	sor.u32 s3, s0;
	s1 =	sshll.u32 s1, $0x11  }
0x33: {  	s0 =	sor.u32 s1, s0  }
0x34: {  	s0 =	sadd.s32 $0x8F2B, s0  }
0x35: {  	[sflag:s0] =	ssyncadd.remote.s32 $0x1  }
0x36: {  	_ =	sfence.sel $0xFFFF  }
0x37: {  	[dreg:$0x0] =	wrdreg $0xFFFFFFFF;
	(pc) =	sbr.abs _section_cstart, $3  }
0x38: {  	[dreg:$0x1] =	wrdreg $0xFFFFFFFF  }
0x39: {  	_ =	task.clear_ibuf [dreg:s7], $0x2FFFF;
	_ =	strace $0x9FFFFFFF  }
0x3a: {  	(tm) =	ssettm $0x7FFFFFFF  }
0x3b: {  	_ =	shalt  }
tec
execute0_lowered:
.L_overlay_start_1:
0x0: {  	(tag) =	ssettag $0x1  }
0x1: {  	s0 =	srdreg.scid  }
0x2: {  	s1 =	sshll.u32 s0, $0x4  }
0x3: {  	s0 =	stileid.u32;
	s1 =	sand.u32 $0x10, s1  }
0x4: {  	s1 =	sor.u32 s0, s1  }
0x5: {  	s6 =	rddreg [dreg:$0x0];
	s4 =	simm.s32 $0x1;
	s2 =	sshll.u32 s1, $0x7  }
0x6: {  	s7 =	simm.s32 $0x2;
	s12 =	simm.s32 $0x0;
	s1 =	ssub.s32 $0x1000, s2  }
0x7: {  	s8 =	simm.s32 $0x8000;
	s13 =	simm.s32 $0x0;
	s3 =	sand.u32 $0xF80, s1  }
0x8: {  	s9 =	simm.s32 $0x0;
	s5 =	sshrl.u32 s1, $0xC;
	p0 =	sne.s32 s3, $0x0  }
.Ltmp0:
0x9: {  	s1 =	rddreg [dreg:$0x2];
	s4 =	simm.s32 @!p0 $0x0;
	(pc) =	sbr.rel .LBB1_1-.Ltmp0, $4  }
0xa: {  	s11 =	simm.s32 $0x0;
	s3 =	rddreg [dreg:$0x1];
	s5 =	sadd.s32 s4, s5  }
0xb: {  	_ =	strace $0x8000004A;
	s4 =	simm.s32 $0x1;
	s5 =	smul.u32 $0xC8, s5  }
0xc: {  	s6 =	sadd.s32 $0xA00, s6;
	s10 =	smov.u32 s2;
	[sflag:s4] =	ssyncpa.u1 $0x0  }
0xd: {  	p0 =	por $0x0, $0x0;
	[sflag:s7] =	ssyncpa.u1 $0x0;
	s7 =	sor.u32 $0x1, s5  }
.LBB1_4:
0xe: {  	s16 =	sshll.u32 s13, $0x3;
	s17 =	sand.u32 $0x78, s13  }
0xf: {  	s30 =	sand.u32 $0x7E00, s13;
	s12 =	sshll.u32 s12, $0xF;
	s16 =	sand.u32 $0xC00, s16  }
0x10: {  	[tilespmem:s15+$0x810 ss:$0x81] =	vst.msk $0xffff, v2;
	s31 =	sand.u32 $0x7, s13;
	s16 =	sor.u32 s17, s16;
	s17 =	sadd.s32 s3, s30  }
0x11: {  	[tilespmem:s15+$0x1020 ss:$0x81] =	vst.msk $0xffff, v0;
	s13 =	sshll.u32 s31, $0x12;
	s12 =	sadd.s32 s12, s17;
	s16 =	sshrl.u32 s16, $0x3  }
0x12: {  	[tilespmem:s15+$0x0 ss:$0x81] =	vst.msk $0xffff, v1;
	s13 =	sor.u32 $0x400, s13;
	s12 =	sadd.s32 s16, s12  }
0x13: {  	[hbm4b:s12+s13] =	stream.strided.scatter [tilespmem:s14], [sflag:$0x2], $0x2000, s8, s13, $0x20;
	[tilespmem:$0x8080] =	vst v63  }
.LBB1_5:
0x14: {  	s14 =	sadd.s32 $0x1, s9  }
0x15: {  	s12 =	sadd.s32 $0x1000, s10;
	s16 =	smov.u32 s10;
	p2 =	sgt.s32 s14, $0xC7  }
0x16: {  	s16 =	smov.u32 @p2 s12  }
0x17: {  	s14 =	simm.s32 @p2 $0x0;
	p2 =	sgt.s32 s16, $0xFFF  }
0x18: {  	s16 =	smov.u32 @p2 s2;
	p2 =	sne.s32 s11, s7  }
.Ltmp1:
0x19: {  	p1 =	slt.u32 s11, $0x2;
	(pc) =	sbr.rel @!p2 .LBB1_6-.Ltmp1, $4  }
0x1a: {  	s15 =	simm.s32 @!p1 $0x2  }
0x1b: {  	s13 =	smov.u32 s10;
	p0 =	por !p0, !p0;
	_ =	swait.ge @!p1 [sflag:s15], $0x2000  }
0x1c: {  	s12 =	smov.u32 s9;
	[sflag:s15] =	ssyncset.done @!p1 $0x0;
	s9 =	smov.u32 s14  }
0x1d: {  	s11 =	sadd.s32 $0x1, s11;
	[sflag:s15] =	ssyncadd.s32 @!p1 $0xFFFFE000;
	s10 =	smov.u32 s16  }
.LBB1_1:
0x1e: {  	p1 =	sge.u32 s11, s5  }
0x1f: {  	s14 =	sand.u32 @!p1 $0x1FFFFFF, s9  }
0x20: {  	s15 =	smulhi.u32 @!p1 $0x147AE15, s14;
	_ =	sdelay $0x1  }
0x21: {  	s15 =	smul.u32 @!p1 $0xC8, s15  }
0x22: {  	s16 =	sxor.u32 @!p1 $0xFFFFFFFF, s11;
	s17 =	smul.u32 @!p1 $0xC80, s10  }
0x23: {  	s31 =	sadd.s32 $0xFFFFFFFF, s11;
	s16 =	sshll.u32 @!p1 s16, $0xD;
	s14 =	ssub.s32 @!p1 s14, s15  }
0x24: {  	s15 =	sand.u32 @!p1 $0x2000, s16;
	s16 =	sadd.s32 @!p1 s6, s17;
	s14 =	sshll.u32 @!p1 s14, $0x4  }
0x25: {  	s17 =	simm.s32 @!p1 $0x6400;
	s14 =	sadd.s32 @!p1 s14, s16;
	s16 =	simm.s32 @!p1 $0x40  }
0x26: {  	[tilespmem:s15], [sflag:$0x1] =	stream.strided.gather @!p1 [hbm4b:s14+s16], $0x2000, s17, s16, $0x38;
	[tilespmem:$0x8080] =	vst v63  }
0x27: {  	p1 =	sge.u32 s31, s5  }
.Ltmp2:
0x28: {  	_ = 	snop;
	(pc) =	sbr.rel @p1 .LBB1_5-.Ltmp2, $1  }
0x29: {  	_ =	sdelay $0x3  }
0x2a: {  	s14 =	simm.s32 $0x1  }
0x2b: {  	_ =	swait.ge [sflag:s4], $0x2000;
	s14 =	simm.s32 @!p0 $0x0  }
0x2c: {  	[sflag:s4] =	ssyncset.done $0x0;
	s15 =	sshll.u32 s14, $0xD  }
0x2d: {  	[sflag:s4] =	ssyncadd.s32 $0xFFFFE000;
	s18 =	sor.u32 $0x20, s15  }
0x2e: {  	s14 =	smul.u32 $0x8100, s14;
	v3 =	vld [tilespmem:s18+$0x10]  }
0x2f: {  	s30 =	sand.u32 $0x1, s11;
	v2 =	vld [tilespmem:s18+$0xFFFFFFF0]  }
0x30: {  	s15 =	smul.u32 $0x8100, s30;
	s14 =	sshrl.u32 s14, $0x2;
	v0 =	vld [tilespmem:s18+$0x0]  }
0x31: {  	v1 =	vld [tilespmem:s18+$0xFFFFFFE0];
	s16 =	sor.u32 $0x4000, s14  }
0x32: {  	s31 =	sshrl.u32 s15, $0x2;
	s15 =	sadd.s32 $0x0, s16  }
0x33: {  	s17 =	simm.s32 $0x4;
	s18 =	sadd.s32 $0x40, s18;
	s14 =	sor.u32 $0x4000, s31;
	[tilespmem:s15+$0x1830 ss:$0x81] =	vst.msk $0xffff, v3  }
.LBB1_3:
0x34: {  	v3 =	vld [tilespmem:s18+$0x10];
	p1 =	sne.s32 s17, $0x1FC;
	[tilespmem:s15+$0x810 ss:$0x81] =	vst.msk $0xffff, v2;
	s19 =	smov.u32 s17;
	s17 =	sadd.s32 $0x4, s17  }
.Ltmp3:
0x35: {  	v2 =	vld [tilespmem:s18+$0xFFFFFFF0];
	[tilespmem:s15+$0x1020 ss:$0x81] =	vst.msk $0xffff, v0;
	(pc) =	sbr.rel @p1 .LBB1_3-.Ltmp3, $4  }
0x36: {  	v0 =	vld [tilespmem:s18+$0x0];
	[tilespmem:s15+$0x0 ss:$0x81] =	vst.msk $0xffff, v1  }
0x37: {  	s15 =	sshra.s32 s19, $0x2;
	v1 =	vld [tilespmem:s18+$0xFFFFFFE0]  }
0x38: {  	s15 =	sadd.s32 s15, s16  }
0x39: {  	s18 =	sadd.s32 $0x40, s18;
	[tilespmem:s15+$0x1830 ss:$0x81] =	vst.msk $0xffff, v3  }
.Ltmp4:
0x3a: {  	_ = 	snop;
	(pc) =	sbr.rel .LBB1_4-.Ltmp4, $1  }
0x3b: {  	_ =	sdelay $0x3  }
.LBB1_6:
0x3c: {  	_ =	sfence.sel $0x180000  }
0x3d: {  	s2 =	simm.s32 $0x1;
	[bflag:$0x0] =	sbarrier.arrive $0xFFFF  }
0x3e: {  	s31 =	simm.s32 $0x2;
	[sflag:s2] =	ssyncpa.u1 $0x1  }
0x3f: {  	[sflag:s31] =	ssyncpa.u1 $0x1  }
0x40: {  	p0 =	sne.s32 s0, $0x0;
	_ =	strace $0x9000004A  }
0x41: {  	s0 =	sadd.s32 @!p0 $0x100000, s1;
	[bflag:$0x2] =	sbarrier.arrive $0xFFFF  }
0x42: {  	[sflag:s0] =	ssyncadd.tile.s32 @!p0 $0x1;
	_ =	shalt  }
.Lfunc_end1:
_tile_overlayer_lowered:
.L_overlay_start_2:
0x43: {  	(tag) =	ssettag $0x2  }
0x44: {  	s0 =	rddreg [dreg:$0x0];
	s2 =	stileid.u32  }
0x45: {  	s1 =	rddreg [dreg:$0x1];
	p0 =	sne.s32 s2, $0x0  }
0x46: {  	s3 =	rddreg [dreg:$0x2];
	[bflag:$0x3] =	sbarrier.arrive $0xFFFF;
	s2 =	simm.s32 @!p0 $0x1C01  }
0x47: {  	[timem:s3], [sflag:s2] =	dma.local @!p0 [hbm:s0], s1  }
0x48: {  	s0 =	simm.s32 @!p0 $0x1  }
0x49: {  	_ =	swait.ge @!p0 [sflag:s0], s1  }
0x4a: {  	s1 =	ssub.s32 @!p0 $0x0, s1;
	[sflag:s0] =	ssyncset.done @!p0 $0x0  }
0x4b: {  	[sflag:s0] =	ssyncadd.s32 @!p0 s1  }
0x4c: {  	[bflag:$0x3] =	sbarrier.arrive $0xFFFF  }
0x4d: {  	_ =	shalt  }

</sc_bundles>
